<compile_context>
chip_gen: v7x
topology: tpu7x:2x2x1
jax: 0.10.2.dev20260603
libtpu: 0.0.44.dev20260713+nightly
codegen_flags: <defaults>
</compile_context>

<pallas_src>
import functools

import jax
import jax.numpy as jnp
from jax import lax
from jax.experimental import pallas as pl
from jax.experimental.pallas import tpu as pltpu
from jax.experimental.pallas import tpu_sc as plsc

N_NODES = 10000
D = 128
N_EDGES = 320000

NC = 2
NS = 16
NW = NC * NS
CHUNK = 80
HALF = 64
NH = 2
EDGES_PER_W = NH * HALF * CHUNK
N_EDGES_PAD = EDGES_PER_W * NW
ROWS_PER_TILE = 640
N_PAD = ROWS_PER_TILE * NS


def _mm_body(x_ref, w_ref, b_ref, h_ref):
    h_ref[...] = (
        jnp.dot(x_ref[...], w_ref[...], preferred_element_type=jnp.float32)
        + b_ref[...]
    )


def _matmul(x, W, b2d):
    return pl.pallas_call(
        _mm_body,
        out_shape=jax.ShapeDtypeStruct((N_NODES, D), jnp.float32),
    )(x, W, b2d)


def _sc_agg(h, src_r, dst_r, zeros):
    mesh = plsc.VectorSubcoreMesh(core_axis_name="c", subcore_axis_name="s")

    @functools.partial(
        pl.kernel,
        mesh=mesh,
        out_type=jax.ShapeDtypeStruct((NC, N_PAD, D), jnp.float32),
        scratch_types=[
            pltpu.VMEM((HALF, CHUNK), jnp.int32),
            pltpu.VMEM((HALF, CHUNK), jnp.int32),
            pltpu.VMEM((CHUNK, D), jnp.float32),
            pltpu.VMEM((CHUNK, D), jnp.float32),
            pltpu.VMEM_SHARED((N_PAD, D), jnp.float32),
            pltpu.SemaphoreType.DMA,
            pltpu.SemaphoreType.DMA,
            pltpu.SemaphoreType.DMA,
            pltpu.SemaphoreType.DMA,
            pltpu.SemaphoreType.DMA,
        ],
    )
    def k(h_hbm, src_hbm, dst_hbm, z_hbm, out_hbm,
          src_v, dst_v, rows0, rows1, acc, gi, g0, g1, s0, s1):
        c = lax.axis_index("c")
        s = lax.axis_index("s")
        wid = c * NS + s

        pltpu.sync_copy(z_hbm, acc.at[pl.ds(s * ROWS_PER_TILE, ROWS_PER_TILE)])
        plsc.subcore_barrier()

        def gather(i, buf, sem):
            return pltpu.make_async_copy(h_hbm.at[src_v.at[i]], buf, sem)

        def scat(i, buf, sem):
            return pltpu.make_async_copy(buf, acc.at[dst_v.at[i]], sem)

        for hh in range(NH):
            pltpu.make_async_copy(src_hbm.at[wid, hh], src_v, gi).start()
            pltpu.make_async_copy(dst_hbm.at[wid, hh], dst_v, gi).start()
            pltpu.make_async_copy(src_hbm.at[wid, hh], src_v, gi).wait()
            pltpu.make_async_copy(dst_hbm.at[wid, hh], dst_v, gi).wait()

            gather(0, rows0, g0).start()
            gather(1, rows1, g1).start()

            def pair(p, carry):
                i0 = 2 * p
                i1 = i0 + 1
                gather(i0, rows0, g0).wait()
                scat(i0, rows0, s0).start(add=True)
                gather(i1, rows1, g1).wait()
                scat(i1, rows1, s1).start(add=True)
                scat(i0, rows0, s0).wait()
                gather(i0 + 2, rows0, g0).start()
                scat(i1, rows1, s1).wait()
                gather(i1 + 2, rows1, g1).start()
                return carry

            lax.fori_loop(0, HALF // 2 - 1, pair, 0)

            last0 = HALF - 2
            last1 = HALF - 1
            gather(last0, rows0, g0).wait()
            scat(last0, rows0, s0).start(add=True)
            gather(last1, rows1, g1).wait()
            scat(last1, rows1, s1).start(add=True)
            scat(last0, rows0, s0).wait()
            scat(last1, rows1, s1).wait()

        plsc.subcore_barrier()
        pltpu.sync_copy(
            acc.at[pl.ds(s * ROWS_PER_TILE, ROWS_PER_TILE)],
            out_hbm.at[c, pl.ds(s * ROWS_PER_TILE, ROWS_PER_TILE)],
        )

    return k(h, src_r, dst_r, zeros)


def _finish_body(p_ref, g_ref, be_ref, al_ref, w2_ref, b2_ref, o_ref):
    row = lax.broadcasted_iota(jnp.int32, (N_PAD, 1), 0)
    valid = row < N_NODES
    agg = jnp.where(valid, p_ref[0] + p_ref[1], 0.0)
    n = float(N_NODES)
    mean = jnp.sum(agg, axis=0, keepdims=True) / n
    e2 = jnp.sum(agg * agg, axis=0, keepdims=True) / n
    var = e2 - mean * mean
    scale = g_ref[...] * lax.rsqrt(var + 1e-3)
    hn = (agg - mean) * scale + be_ref[...]
    act = jnp.where(hn > 0, hn, al_ref[...] * hn)
    act = jnp.where(valid, act, 0.0)
    pooled = jnp.sum(act, axis=0, keepdims=True)
    o_ref[...] = jnp.sum(pooled * w2_ref[...], keepdims=True) + b2_ref[...]


def _finish(partials, gamma, beta, alpha, W2t, b2):
    return pl.pallas_call(
        _finish_body,
        out_shape=jax.ShapeDtypeStruct((1, 1), jnp.float32),
    )(partials, gamma, beta, alpha, W2t, b2)


def kernel(x, edge_index, W, b, gamma, beta, alpha, W2, b2):
    h = _matmul(x, W, b.reshape(1, D))
    fill_per_w = EDGES_PER_W - N_EDGES // NW
    src_fill = jnp.arange(fill_per_w, dtype=jnp.int32) % N_NODES
    src_pad = jnp.concatenate(
        [edge_index[0].reshape(NW, N_EDGES // NW),
         jnp.broadcast_to(src_fill, (NW, fill_per_w))], axis=1)
    dst_fill = N_NODES + (
        jnp.arange(fill_per_w, dtype=jnp.int32) % (N_PAD - N_NODES))
    dst_pad = jnp.concatenate(
        [edge_index[1].reshape(NW, N_EDGES // NW),
         jnp.broadcast_to(dst_fill, (NW, fill_per_w))], axis=1)
    src_r = src_pad.reshape(NW, NH, HALF, CHUNK)
    dst_r = dst_pad.reshape(NW, NH, HALF, CHUNK)
    zeros = jnp.zeros((ROWS_PER_TILE, D), jnp.float32)
    partials = _sc_agg(h, src_r, dst_r, zeros)
    out = _finish(
        partials,
        gamma.reshape(1, D),
        beta.reshape(1, D),
        alpha.reshape(1, D),
        W2.reshape(1, D),
        b2.reshape(1, 1),
    )
    return out.reshape(1)

# --- scband reference (transcript-rebuilt; emitter-appended) ---
"""Pipeline reference for scband-graph-neural-network-64493228916781 (READ-ONLY COPY).

The authoritative reference and input builder live on the scoring server;
editing this copy changes nothing except your own understanding.
"""

import jax, jax.numpy as jnp
import numpy as np

N_NODES = 10000
D_FEAT = 128
N_HIDDEN = 128
N_EDGES = 320000


def setup_inputs(seed: int = 0) -> dict:
    key = jax.random.key(seed)
    ks = jax.random.split(key, 8)
    x = jax.random.normal(ks[0], (N_NODES, D_FEAT), dtype=jnp.float32)
    edge_index = jax.random.randint(ks[1], (2, N_EDGES), 0, N_NODES, dtype=jnp.int64 if jax.config.jax_enable_x64 else jnp.int32).astype(jnp.int32)
    # GeneralConv params: dense W,b; batch-norm gamma,beta; PReLU alpha
    W = jax.random.normal(ks[2], (D_FEAT, N_HIDDEN), dtype=jnp.float32) * (1.0 / np.sqrt(D_FEAT))
    b = jnp.zeros((N_HIDDEN,), dtype=jnp.float32)
    gamma = jnp.ones((N_HIDDEN,), dtype=jnp.float32)
    beta = jnp.zeros((N_HIDDEN,), dtype=jnp.float32)
    alpha = jnp.full((N_HIDDEN,), 0.25, dtype=jnp.float32)
    # final Dense(1, 'linear')
    W2 = jax.random.normal(ks[3], (N_HIDDEN, 1), dtype=jnp.float32) * (1.0 / np.sqrt(N_HIDDEN))
    b2 = jnp.zeros((1,), dtype=jnp.float32)
    return {"x": x, "edge_index": edge_index, "W": W, "b": b, "gamma": gamma, "beta": beta, "alpha": alpha, "W2": W2, "b2": b2}


def reference(x, edge_index, W, b, gamma, beta, alpha, W2, b2):
    # GeneralConv (spektral 'GeneralConv' with sum aggregation, batch_norm, PReLU)
    h = jnp.dot(x, W) + b                       # linear transform
    src = edge_index[0]
    dst = edge_index[1]
    msgs = jnp.take(h, src, axis=0)             # gather messages (SparseCore gather)
    agg = jax.ops.segment_sum(msgs, dst, num_segments=x.shape[0])  # scatter-add aggregate
    # batch norm (batch statistics over nodes, Keras eps=1e-3)
    mean = jnp.mean(agg, axis=0)
    var = jnp.var(agg, axis=0)
    hn = (agg - mean) / jnp.sqrt(var + 1e-3) * gamma + beta
    # PReLU activation
    act = jnp.where(hn > 0, hn, alpha * hn)
    # GlobalSumPool over nodes (single mode)
    pooled = jnp.sum(act, axis=0)               # [N_HIDDEN]
    # Dense(1, 'linear')
    out = jnp.dot(pooled, W2) + b2              # [1]
    return out

if __name__ == "__main__":
    import jax
    _d = setup_inputs()
    print(jax.jit(kernel)(*tuple(_d.values())))

</pallas_src>

<mosaic_0001>
#map = affine_map<(d0, d1) -> (0, 0)>
#map1 = affine_map<(d0, d1) -> (0, 0, 0, 0)>
#map2 = affine_map<(d0, d1) -> (0, 0, 0)>
module attributes {stable_mosaic.version = 14 : i64} {
  func.func @k(%arg0: i32, %arg1: i32, %arg2: memref<10000x128xf32, #tpu.memory_space<hbm>>, %arg3: memref<32x2x64x80xi32, #tpu.memory_space<hbm>>, %arg4: memref<32x2x64x80xi32, #tpu.memory_space<hbm>>, %arg5: memref<640x128xf32, #tpu.memory_space<hbm>>, %arg6: memref<2x10240x128xf32, #tpu.memory_space<hbm>>, %arg7: memref<64x80xi32, #tpu.memory_space<vmem>>, %arg8: memref<64x80xi32, #tpu.memory_space<vmem>>, %arg9: memref<80x128xf32, #tpu.memory_space<vmem>>, %arg10: memref<80x128xf32, #tpu.memory_space<vmem>>, %arg11: memref<10240x128xf32, #tpu.memory_space<vmem_shared>>, %arg12: memref<!tpu.dma_semaphore, #tpu.memory_space<semaphore_mem>>, %arg13: memref<!tpu.dma_semaphore, #tpu.memory_space<semaphore_mem>>, %arg14: memref<!tpu.dma_semaphore, #tpu.memory_space<semaphore_mem>>, %arg15: memref<!tpu.dma_semaphore, #tpu.memory_space<semaphore_mem>>, %arg16: memref<!tpu.dma_semaphore, #tpu.memory_space<semaphore_mem>>) attributes {dimension_semantics = [#tpu.dimension_semantics<core_parallel>, #tpu.dimension_semantics<subcore_parallel>], iteration_bounds = array<i64: 2, 16>, scalar_prefetch = 0 : i64, scratch_operands = 10 : i64, tpu.core_type = #tpu.core_type<sc_vector_subcore>, window_params = [{transform_indices = #map}, {transform_indices = #map1}, {transform_indices = #map1}, {transform_indices = #map}, {transform_indices = #map2}]} {
    %mul3A = arith.constant 16 : i32
    %mul3A_0 = arith.muli %arg0, %mul3A : i32
    %add3A = arith.addi %mul3A_0, %arg1 : i32
    %mul3A_1 = arith.constant 640 : i32
    %mul3A_2 = arith.muli %arg1, %mul3A_1 : i32
    "tpu.region"() ({
      %run_scoped3A = tpu.sem_alloc : memref<!tpu.dma_semaphore, #tpu.memory_space<semaphore_mem>>
      %dma_start3A_201 = arith.constant 0 : i32
      %dma_start3A_202 = tpu.memref_slice %arg11[%mul3A_2, %dma_start3A_201] : memref<10240x128xf32, #tpu.memory_space<vmem_shared>> -> memref<640x128xf32, #tpu.memory_space<vmem_shared>>
      tpu.enqueue_dma source(%arg5 : memref<640x128xf32, #tpu.memory_space<hbm>>) target(%dma_start3A_202 : memref<640x128xf32, #tpu.memory_space<vmem_shared>>) target_semaphore(%run_scoped3A : memref<!tpu.dma_semaphore, #tpu.memory_space<semaphore_mem>>)
      %dma_wait3A_203 = arith.constant 0 : i32
      %dma_wait3A_204 = tpu.memref_slice %arg11[%mul3A_2, %dma_wait3A_203] : memref<10240x128xf32, #tpu.memory_space<vmem_shared>> -> memref<640x128xf32, #tpu.memory_space<vmem_shared>>
      tpu.wait_dma2 semaphore(%run_scoped3A : memref<!tpu.dma_semaphore, #tpu.memory_space<semaphore_mem>>) src(%arg5 : memref<640x128xf32, #tpu.memory_space<hbm>>) dst(%dma_wait3A_204 : memref<640x128xf32, #tpu.memory_space<vmem_shared>>)
      tpu.yield
    }) : () -> ()
    %barrier3A = arith.constant 0 : index
    tpu.barrier barrier_id(%barrier3A)
    %dma_start3A = arith.constant 0 : i32
    %dma_start3A_3 = arith.constant 0 : i32
    %dma_start3A_4 = arith.constant 0 : i32
    %dma_start3A_5 = tpu.memref_slice %arg3[%add3A, %dma_start3A, %dma_start3A_3, %dma_start3A_4] : memref<32x2x64x80xi32, #tpu.memory_space<hbm>> -> memref<1x1x64x80xi32, #tpu.memory_space<hbm>>
    %dma_start3A_6 = tpu.memref_squeeze %dma_start3A_5 : memref<1x1x64x80xi32, #tpu.memory_space<hbm>> -> memref<64x80xi32, #tpu.memory_space<hbm>>
    %dma_start3A_7 = arith.constant 0 : i32
    %dma_start3A_8 = arith.constant 0 : i32
    %dma_start3A_9 = tpu.memref_slice %arg3[%add3A, %dma_start3A, %dma_start3A_7, %dma_start3A_8] : memref<32x2x64x80xi32, #tpu.memory_space<hbm>> -> memref<1x1x64x80xi32, #tpu.memory_space<hbm>>
    %dma_start3A_10 = tpu.memref_squeeze %dma_start3A_9 : memref<1x1x64x80xi32, #tpu.memory_space<hbm>> -> memref<64x80xi32, #tpu.memory_space<hbm>>
    tpu.enqueue_dma source(%dma_start3A_10 : memref<64x80xi32, #tpu.memory_space<hbm>>) target(%arg7 : memref<64x80xi32, #tpu.memory_space<vmem>>) target_semaphore(%arg12 : memref<!tpu.dma_semaphore, #tpu.memory_space<semaphore_mem>>)
    %dma_start3A_11 = arith.constant 0 : i32
    %dma_start3A_12 = arith.constant 0 : i32
    %dma_start3A_13 = arith.constant 0 : i32
    %dma_start3A_14 = tpu.memref_slice %arg4[%add3A, %dma_start3A_11, %dma_start3A_12, %dma_start3A_13] : memref<32x2x64x80xi32, #tpu.memory_space<hbm>> -> memref<1x1x64x80xi32, #tpu.memory_space<hbm>>
    %dma_start3A_15 = tpu.memref_squeeze %dma_start3A_14 : memref<1x1x64x80xi32, #tpu.memory_space<hbm>> -> memref<64x80xi32, #tpu.memory_space<hbm>>
    %dma_start3A_16 = arith.constant 0 : i32
    %dma_start3A_17 = arith.constant 0 : i32
    %dma_start3A_18 = tpu.memref_slice %arg4[%add3A, %dma_start3A_11, %dma_start3A_16, %dma_start3A_17] : memref<32x2x64x80xi32, #tpu.memory_space<hbm>> -> memref<1x1x64x80xi32, #tpu.memory_space<hbm>>
    %dma_start3A_19 = tpu.memref_squeeze %dma_start3A_18 : memref<1x1x64x80xi32, #tpu.memory_space<hbm>> -> memref<64x80xi32, #tpu.memory_space<hbm>>
    tpu.enqueue_dma source(%dma_start3A_19 : memref<64x80xi32, #tpu.memory_space<hbm>>) target(%arg8 : memref<64x80xi32, #tpu.memory_space<vmem>>) target_semaphore(%arg12 : memref<!tpu.dma_semaphore, #tpu.memory_space<semaphore_mem>>)
    %dma_wait3A = arith.constant 0 : i32
    %dma_wait3A_20 = arith.constant 0 : i32
    %dma_wait3A_21 = arith.constant 0 : i32
    %dma_wait3A_22 = tpu.memref_slice %arg3[%add3A, %dma_wait3A, %dma_wait3A_20, %dma_wait3A_21] : memref<32x2x64x80xi32, #tpu.memory_space<hbm>> -> memref<1x1x64x80xi32, #tpu.memory_space<hbm>>
    %dma_wait3A_23 = tpu.memref_squeeze %dma_wait3A_22 : memref<1x1x64x80xi32, #tpu.memory_space<hbm>> -> memref<64x80xi32, #tpu.memory_space<hbm>>
    %dma_wait3A_24 = arith.constant 0 : i32
    %dma_wait3A_25 = arith.constant 0 : i32
    %dma_wait3A_26 = tpu.memref_slice %arg3[%add3A, %dma_wait3A, %dma_wait3A_24, %dma_wait3A_25] : memref<32x2x64x80xi32, #tpu.memory_space<hbm>> -> memref<1x1x64x80xi32, #tpu.memory_space<hbm>>
    %dma_wait3A_27 = tpu.memref_squeeze %dma_wait3A_26 : memref<1x1x64x80xi32, #tpu.memory_space<hbm>> -> memref<64x80xi32, #tpu.memory_space<hbm>>
    tpu.wait_dma2 semaphore(%arg12 : memref<!tpu.dma_semaphore, #tpu.memory_space<semaphore_mem>>) src(%dma_wait3A_27 : memref<64x80xi32, #tpu.memory_space<hbm>>) dst(%arg7 : memref<64x80xi32, #tpu.memory_space<vmem>>)
    %dma_wait3A_28 = arith.constant 0 : i32
    %dma_wait3A_29 = arith.constant 0 : i32
    %dma_wait3A_30 = arith.constant 0 : i32
    %dma_wait3A_31 = tpu.memref_slice %arg4[%add3A, %dma_wait3A_28, %dma_wait3A_29, %dma_wait3A_30] : memref<32x2x64x80xi32, #tpu.memory_space<hbm>> -> memref<1x1x64x80xi32, #tpu.memory_space<hbm>>
    %dma_wait3A_32 = tpu.memref_squeeze %dma_wait3A_31 : memref<1x1x64x80xi32, #tpu.memory_space<hbm>> -> memref<64x80xi32, #tpu.memory_space<hbm>>
    %dma_wait3A_33 = arith.constant 0 : i32
    %dma_wait3A_34 = arith.constant 0 : i32
    %dma_wait3A_35 = tpu.memref_slice %arg4[%add3A, %dma_wait3A_28, %dma_wait3A_33, %dma_wait3A_34] : memref<32x2x64x80xi32, #tpu.memory_space<hbm>> -> memref<1x1x64x80xi32, #tpu.memory_space<hbm>>
    %dma_wait3A_36 = tpu.memref_squeeze %dma_wait3A_35 : memref<1x1x64x80xi32, #tpu.memory_space<hbm>> -> memref<64x80xi32, #tpu.memory_space<hbm>>
    tpu.wait_dma2 semaphore(%arg12 : memref<!tpu.dma_semaphore, #tpu.memory_space<semaphore_mem>>) src(%dma_wait3A_36 : memref<64x80xi32, #tpu.memory_space<hbm>>) dst(%arg8 : memref<64x80xi32, #tpu.memory_space<vmem>>)
    %dma_start3A_37 = arith.constant 0 : i32
    %dma_start3A_38 = arith.constant 0 : i32
    %dma_start3A_39 = tpu.memref_slice %arg7[%dma_start3A_37, %dma_start3A_38] : memref<64x80xi32, #tpu.memory_space<vmem>> -> memref<1x80xi32, #tpu.memory_space<vmem>>
    %dma_start3A_40 = tpu.memref_squeeze %dma_start3A_39 : memref<1x80xi32, #tpu.memory_space<vmem>> -> memref<80xi32, #tpu.memory_space<vmem>>
    %dma_start3A_41 = arith.constant 0 : i32
    %dma_start3A_42 = arith.constant 0 : i32
    %dma_start3A_43 = tpu.memref_slice %arg2[%dma_start3A_41, %dma_start3A_42] : memref<10000x128xf32, #tpu.memory_space<hbm>> -> memref<10000x128xf32, #tpu.memory_space<hbm>>
    tpu.enqueue_indirect_dma source(%dma_start3A_43 : memref<10000x128xf32, #tpu.memory_space<hbm>>) target(%arg9 : memref<80x128xf32, #tpu.memory_space<vmem>>) offsets(%dma_start3A_40 : memref<80xi32, #tpu.memory_space<vmem>>) semaphore(%arg13 : memref<!tpu.dma_semaphore, #tpu.memory_space<semaphore_mem>>)
    %dma_start3A_44 = arith.constant 1 : i32
    %dma_start3A_45 = arith.constant 0 : i32
    %dma_start3A_46 = tpu.memref_slice %arg7[%dma_start3A_44, %dma_start3A_45] : memref<64x80xi32, #tpu.memory_space<vmem>> -> memref<1x80xi32, #tpu.memory_space<vmem>>
    %dma_start3A_47 = tpu.memref_squeeze %dma_start3A_46 : memref<1x80xi32, #tpu.memory_space<vmem>> -> memref<80xi32, #tpu.memory_space<vmem>>
    %dma_start3A_48 = arith.constant 0 : i32
    %dma_start3A_49 = arith.constant 0 : i32
    %dma_start3A_50 = tpu.memref_slice %arg2[%dma_start3A_48, %dma_start3A_49] : memref<10000x128xf32, #tpu.memory_space<hbm>> -> memref<10000x128xf32, #tpu.memory_space<hbm>>
    tpu.enqueue_indirect_dma source(%dma_start3A_50 : memref<10000x128xf32, #tpu.memory_space<hbm>>) target(%arg10 : memref<80x128xf32, #tpu.memory_space<vmem>>) offsets(%dma_start3A_47 : memref<80xi32, #tpu.memory_space<vmem>>) semaphore(%arg14 : memref<!tpu.dma_semaphore, #tpu.memory_space<semaphore_mem>>)
    %scan3A = arith.constant 0 : i32
    %scan3A_51 = arith.constant 0 : i32
    %scan3A_52 = arith.constant 31 : i32
    %scan3A_53 = arith.addi %scan3A_51, %scan3A_52 : i32
    %scan3A_54 = arith.constant 1 : i32
    scf.for %scan3A_201 = %scan3A_51 to %scan3A_53 step %scan3A_54  : i32 {
      %mul3A_202 = arith.constant 2 : i32
      %mul3A_203 = arith.muli %mul3A_202, %scan3A_201 : i32
      %add3A_204 = arith.constant 1 : i32
      %add3A_205 = arith.addi %mul3A_203, %add3A_204 : i32
      %dma_wait3A_206 = arith.constant 0 : i32
      %dma_wait3A_207 = tpu.memref_slice %arg7[%mul3A_203, %dma_wait3A_206] : memref<64x80xi32, #tpu.memory_space<vmem>> -> memref<1x80xi32, #tpu.memory_space<vmem>>
      %dma_wait3A_208 = tpu.memref_squeeze %dma_wait3A_207 : memref<1x80xi32, #tpu.memory_space<vmem>> -> memref<80xi32, #tpu.memory_space<vmem>>
      %dma_wait3A_209 = arith.constant 0 : i32
      %dma_wait3A_210 = arith.constant 0 : i32
      %dma_wait3A_211 = tpu.memref_slice %arg2[%dma_wait3A_209, %dma_wait3A_210] : memref<10000x128xf32, #tpu.memory_space<hbm>> -> memref<10000x128xf32, #tpu.memory_space<hbm>>
      tpu.wait_indirect_dma semaphore(%arg13 : memref<!tpu.dma_semaphore, #tpu.memory_space<semaphore_mem>>) src(%dma_wait3A_211 : memref<10000x128xf32, #tpu.memory_space<hbm>>) dst(%arg9 : memref<80x128xf32, #tpu.memory_space<vmem>>)
      %dma_start3A_212 = arith.constant 0 : i32
      %dma_start3A_213 = tpu.memref_slice %arg8[%mul3A_203, %dma_start3A_212] : memref<64x80xi32, #tpu.memory_space<vmem>> -> memref<1x80xi32, #tpu.memory_space<vmem>>
      %dma_start3A_214 = tpu.memref_squeeze %dma_start3A_213 : memref<1x80xi32, #tpu.memory_space<vmem>> -> memref<80xi32, #tpu.memory_space<vmem>>
      %dma_start3A_215 = arith.constant 0 : i32
      %dma_start3A_216 = arith.constant 0 : i32
      %dma_start3A_217 = tpu.memref_slice %arg11[%dma_start3A_215, %dma_start3A_216] : memref<10240x128xf32, #tpu.memory_space<vmem_shared>> -> memref<10240x128xf32, #tpu.memory_space<vmem_shared>>
      tpu.enqueue_indirect_dma source(%arg9 : memref<80x128xf32, #tpu.memory_space<vmem>>) target(%dma_start3A_217 : memref<10240x128xf32, #tpu.memory_space<vmem_shared>>) offsets(%dma_start3A_214 : memref<80xi32, #tpu.memory_space<vmem>>) semaphore(%arg15 : memref<!tpu.dma_semaphore, #tpu.memory_space<semaphore_mem>>) {add = true}
      %dma_wait3A_218 = arith.constant 0 : i32
      %dma_wait3A_219 = tpu.memref_slice %arg7[%add3A_205, %dma_wait3A_218] : memref<64x80xi32, #tpu.memory_space<vmem>> -> memref<1x80xi32, #tpu.memory_space<vmem>>
      %dma_wait3A_220 = tpu.memref_squeeze %dma_wait3A_219 : memref<1x80xi32, #tpu.memory_space<vmem>> -> memref<80xi32, #tpu.memory_space<vmem>>
      %dma_wait3A_221 = arith.constant 0 : i32
      %dma_wait3A_222 = arith.constant 0 : i32
      %dma_wait3A_223 = tpu.memref_slice %arg2[%dma_wait3A_221, %dma_wait3A_222] : memref<10000x128xf32, #tpu.memory_space<hbm>> -> memref<10000x128xf32, #tpu.memory_space<hbm>>
      tpu.wait_indirect_dma semaphore(%arg14 : memref<!tpu.dma_semaphore, #tpu.memory_space<semaphore_mem>>) src(%dma_wait3A_223 : memref<10000x128xf32, #tpu.memory_space<hbm>>) dst(%arg10 : memref<80x128xf32, #tpu.memory_space<vmem>>)
      %dma_start3A_224 = arith.constant 0 : i32
      %dma_start3A_225 = tpu.memref_slice %arg8[%add3A_205, %dma_start3A_224] : memref<64x80xi32, #tpu.memory_space<vmem>> -> memref<1x80xi32, #tpu.memory_space<vmem>>
      %dma_start3A_226 = tpu.memref_squeeze %dma_start3A_225 : memref<1x80xi32, #tpu.memory_space<vmem>> -> memref<80xi32, #tpu.memory_space<vmem>>
      %dma_start3A_227 = arith.constant 0 : i32
      %dma_start3A_228 = arith.constant 0 : i32
      %dma_start3A_229 = tpu.memref_slice %arg11[%dma_start3A_227, %dma_start3A_228] : memref<10240x128xf32, #tpu.memory_space<vmem_shared>> -> memref<10240x128xf32, #tpu.memory_space<vmem_shared>>
      tpu.enqueue_indirect_dma source(%arg10 : memref<80x128xf32, #tpu.memory_space<vmem>>) target(%dma_start3A_229 : memref<10240x128xf32, #tpu.memory_space<vmem_shared>>) offsets(%dma_start3A_226 : memref<80xi32, #tpu.memory_space<vmem>>) semaphore(%arg16 : memref<!tpu.dma_semaphore, #tpu.memory_space<semaphore_mem>>) {add = true}
      %dma_wait3A_230 = arith.constant 0 : i32
      %dma_wait3A_231 = tpu.memref_slice %arg8[%mul3A_203, %dma_wait3A_230] : memref<64x80xi32, #tpu.memory_space<vmem>> -> memref<1x80xi32, #tpu.memory_space<vmem>>
      %dma_wait3A_232 = tpu.memref_squeeze %dma_wait3A_231 : memref<1x80xi32, #tpu.memory_space<vmem>> -> memref<80xi32, #tpu.memory_space<vmem>>
      %dma_wait3A_233 = arith.constant 0 : i32
      %dma_wait3A_234 = arith.constant 0 : i32
      %dma_wait3A_235 = tpu.memref_slice %arg11[%dma_wait3A_233, %dma_wait3A_234] : memref<10240x128xf32, #tpu.memory_space<vmem_shared>> -> memref<10240x128xf32, #tpu.memory_space<vmem_shared>>
      tpu.wait_indirect_dma semaphore(%arg15 : memref<!tpu.dma_semaphore, #tpu.memory_space<semaphore_mem>>) src(%arg9 : memref<80x128xf32, #tpu.memory_space<vmem>>) dst(%dma_wait3A_235 : memref<10240x128xf32, #tpu.memory_space<vmem_shared>>)
      %add3A_236 = arith.constant 2 : i32
      %add3A_237 = arith.addi %mul3A_203, %add3A_236 : i32
      %dma_start3A_238 = arith.constant 0 : i32
      %dma_start3A_239 = tpu.memref_slice %arg7[%add3A_237, %dma_start3A_238] : memref<64x80xi32, #tpu.memory_space<vmem>> -> memref<1x80xi32, #tpu.memory_space<vmem>>
      %dma_start3A_240 = tpu.memref_squeeze %dma_start3A_239 : memref<1x80xi32, #tpu.memory_space<vmem>> -> memref<80xi32, #tpu.memory_space<vmem>>
      %dma_start3A_241 = arith.constant 0 : i32
      %dma_start3A_242 = arith.constant 0 : i32
      %dma_start3A_243 = tpu.memref_slice %arg2[%dma_start3A_241, %dma_start3A_242] : memref<10000x128xf32, #tpu.memory_space<hbm>> -> memref<10000x128xf32, #tpu.memory_space<hbm>>
      tpu.enqueue_indirect_dma source(%dma_start3A_243 : memref<10000x128xf32, #tpu.memory_space<hbm>>) target(%arg9 : memref<80x128xf32, #tpu.memory_space<vmem>>) offsets(%dma_start3A_240 : memref<80xi32, #tpu.memory_space<vmem>>) semaphore(%arg13 : memref<!tpu.dma_semaphore, #tpu.memory_space<semaphore_mem>>)
      %dma_wait3A_244 = arith.constant 0 : i32
      %dma_wait3A_245 = tpu.memref_slice %arg8[%add3A_205, %dma_wait3A_244] : memref<64x80xi32, #tpu.memory_space<vmem>> -> memref<1x80xi32, #tpu.memory_space<vmem>>
      %dma_wait3A_246 = tpu.memref_squeeze %dma_wait3A_245 : memref<1x80xi32, #tpu.memory_space<vmem>> -> memref<80xi32, #tpu.memory_space<vmem>>
      %dma_wait3A_247 = arith.constant 0 : i32
      %dma_wait3A_248 = arith.constant 0 : i32
      %dma_wait3A_249 = tpu.memref_slice %arg11[%dma_wait3A_247, %dma_wait3A_248] : memref<10240x128xf32, #tpu.memory_space<vmem_shared>> -> memref<10240x128xf32, #tpu.memory_space<vmem_shared>>
      tpu.wait_indirect_dma semaphore(%arg16 : memref<!tpu.dma_semaphore, #tpu.memory_space<semaphore_mem>>) src(%arg10 : memref<80x128xf32, #tpu.memory_space<vmem>>) dst(%dma_wait3A_249 : memref<10240x128xf32, #tpu.memory_space<vmem_shared>>)
      %add3A_250 = arith.constant 2 : i32
      %add3A_251 = arith.addi %add3A_205, %add3A_250 : i32
      %dma_start3A_252 = arith.constant 0 : i32
      %dma_start3A_253 = tpu.memref_slice %arg7[%add3A_251, %dma_start3A_252] : memref<64x80xi32, #tpu.memory_space<vmem>> -> memref<1x80xi32, #tpu.memory_space<vmem>>
      %dma_start3A_254 = tpu.memref_squeeze %dma_start3A_253 : memref<1x80xi32, #tpu.memory_space<vmem>> -> memref<80xi32, #tpu.memory_space<vmem>>
      %dma_start3A_255 = arith.constant 0 : i32
      %dma_start3A_256 = arith.constant 0 : i32
      %dma_start3A_257 = tpu.memref_slice %arg2[%dma_start3A_255, %dma_start3A_256] : memref<10000x128xf32, #tpu.memory_space<hbm>> -> memref<10000x128xf32, #tpu.memory_space<hbm>>
      tpu.enqueue_indirect_dma source(%dma_start3A_257 : memref<10000x128xf32, #tpu.memory_space<hbm>>) target(%arg10 : memref<80x128xf32, #tpu.memory_space<vmem>>) offsets(%dma_start3A_254 : memref<80xi32, #tpu.memory_space<vmem>>) semaphore(%arg14 : memref<!tpu.dma_semaphore, #tpu.memory_space<semaphore_mem>>)
    }
    %scan3A_55 = arith.constant 31 : i32
    %dma_wait3A_56 = arith.constant 62 : i32
    %dma_wait3A_57 = arith.constant 0 : i32
    %dma_wait3A_58 = tpu.memref_slice %arg7[%dma_wait3A_56, %dma_wait3A_57] : memref<64x80xi32, #tpu.memory_space<vmem>> -> memref<1x80xi32, #tpu.memory_space<vmem>>
    %dma_wait3A_59 = tpu.memref_squeeze %dma_wait3A_58 : memref<1x80xi32, #tpu.memory_space<vmem>> -> memref<80xi32, #tpu.memory_space<vmem>>
    %dma_wait3A_60 = arith.constant 0 : i32
    %dma_wait3A_61 = arith.constant 0 : i32
    %dma_wait3A_62 = tpu.memref_slice %arg2[%dma_wait3A_60, %dma_wait3A_61] : memref<10000x128xf32, #tpu.memory_space<hbm>> -> memref<10000x128xf32, #tpu.memory_space<hbm>>
    tpu.wait_indirect_dma semaphore(%arg13 : memref<!tpu.dma_semaphore, #tpu.memory_space<semaphore_mem>>) src(%dma_wait3A_62 : memref<10000x128xf32, #tpu.memory_space<hbm>>) dst(%arg9 : memref<80x128xf32, #tpu.memory_space<vmem>>)
    %dma_start3A_63 = arith.constant 62 : i32
    %dma_start3A_64 = arith.constant 0 : i32
    %dma_start3A_65 = tpu.memref_slice %arg8[%dma_start3A_63, %dma_start3A_64] : memref<64x80xi32, #tpu.memory_space<vmem>> -> memref<1x80xi32, #tpu.memory_space<vmem>>
    %dma_start3A_66 = tpu.memref_squeeze %dma_start3A_65 : memref<1x80xi32, #tpu.memory_space<vmem>> -> memref<80xi32, #tpu.memory_space<vmem>>
    %dma_start3A_67 = arith.constant 0 : i32
    %dma_start3A_68 = arith.constant 0 : i32
    %dma_start3A_69 = tpu.memref_slice %arg11[%dma_start3A_67, %dma_start3A_68] : memref<10240x128xf32, #tpu.memory_space<vmem_shared>> -> memref<10240x128xf32, #tpu.memory_space<vmem_shared>>
    tpu.enqueue_indirect_dma source(%arg9 : memref<80x128xf32, #tpu.memory_space<vmem>>) target(%dma_start3A_69 : memref<10240x128xf32, #tpu.memory_space<vmem_shared>>) offsets(%dma_start3A_66 : memref<80xi32, #tpu.memory_space<vmem>>) semaphore(%arg15 : memref<!tpu.dma_semaphore, #tpu.memory_space<semaphore_mem>>) {add = true}
    %dma_wait3A_70 = arith.constant 63 : i32
    %dma_wait3A_71 = arith.constant 0 : i32
    %dma_wait3A_72 = tpu.memref_slice %arg7[%dma_wait3A_70, %dma_wait3A_71] : memref<64x80xi32, #tpu.memory_space<vmem>> -> memref<1x80xi32, #tpu.memory_space<vmem>>
    %dma_wait3A_73 = tpu.memref_squeeze %dma_wait3A_72 : memref<1x80xi32, #tpu.memory_space<vmem>> -> memref<80xi32, #tpu.memory_space<vmem>>
    %dma_wait3A_74 = arith.constant 0 : i32
    %dma_wait3A_75 = arith.constant 0 : i32
    %dma_wait3A_76 = tpu.memref_slice %arg2[%dma_wait3A_74, %dma_wait3A_75] : memref<10000x128xf32, #tpu.memory_space<hbm>> -> memref<10000x128xf32, #tpu.memory_space<hbm>>
    tpu.wait_indirect_dma semaphore(%arg14 : memref<!tpu.dma_semaphore, #tpu.memory_space<semaphore_mem>>) src(%dma_wait3A_76 : memref<10000x128xf32, #tpu.memory_space<hbm>>) dst(%arg10 : memref<80x128xf32, #tpu.memory_space<vmem>>)
    %dma_start3A_77 = arith.constant 63 : i32
    %dma_start3A_78 = arith.constant 0 : i32
    %dma_start3A_79 = tpu.memref_slice %arg8[%dma_start3A_77, %dma_start3A_78] : memref<64x80xi32, #tpu.memory_space<vmem>> -> memref<1x80xi32, #tpu.memory_space<vmem>>
    %dma_start3A_80 = tpu.memref_squeeze %dma_start3A_79 : memref<1x80xi32, #tpu.memory_space<vmem>> -> memref<80xi32, #tpu.memory_space<vmem>>
    %dma_start3A_81 = arith.constant 0 : i32
    %dma_start3A_82 = arith.constant 0 : i32
    %dma_start3A_83 = tpu.memref_slice %arg11[%dma_start3A_81, %dma_start3A_82] : memref<10240x128xf32, #tpu.memory_space<vmem_shared>> -> memref<10240x128xf32, #tpu.memory_space<vmem_shared>>
    tpu.enqueue_indirect_dma source(%arg10 : memref<80x128xf32, #tpu.memory_space<vmem>>) target(%dma_start3A_83 : memref<10240x128xf32, #tpu.memory_space<vmem_shared>>) offsets(%dma_start3A_80 : memref<80xi32, #tpu.memory_space<vmem>>) semaphore(%arg16 : memref<!tpu.dma_semaphore, #tpu.memory_space<semaphore_mem>>) {add = true}
    %dma_wait3A_84 = arith.constant 62 : i32
    %dma_wait3A_85 = arith.constant 0 : i32
    %dma_wait3A_86 = tpu.memref_slice %arg8[%dma_wait3A_84, %dma_wait3A_85] : memref<64x80xi32, #tpu.memory_space<vmem>> -> memref<1x80xi32, #tpu.memory_space<vmem>>
    %dma_wait3A_87 = tpu.memref_squeeze %dma_wait3A_86 : memref<1x80xi32, #tpu.memory_space<vmem>> -> memref<80xi32, #tpu.memory_space<vmem>>
    %dma_wait3A_88 = arith.constant 0 : i32
    %dma_wait3A_89 = arith.constant 0 : i32
    %dma_wait3A_90 = tpu.memref_slice %arg11[%dma_wait3A_88, %dma_wait3A_89] : memref<10240x128xf32, #tpu.memory_space<vmem_shared>> -> memref<10240x128xf32, #tpu.memory_space<vmem_shared>>
    tpu.wait_indirect_dma semaphore(%arg15 : memref<!tpu.dma_semaphore, #tpu.memory_space<semaphore_mem>>) src(%arg9 : memref<80x128xf32, #tpu.memory_space<vmem>>) dst(%dma_wait3A_90 : memref<10240x128xf32, #tpu.memory_space<vmem_shared>>)
    %dma_wait3A_91 = arith.constant 63 : i32
    %dma_wait3A_92 = arith.constant 0 : i32
    %dma_wait3A_93 = tpu.memref_slice %arg8[%dma_wait3A_91, %dma_wait3A_92] : memref<64x80xi32, #tpu.memory_space<vmem>> -> memref<1x80xi32, #tpu.memory_space<vmem>>
    %dma_wait3A_94 = tpu.memref_squeeze %dma_wait3A_93 : memref<1x80xi32, #tpu.memory_space<vmem>> -> memref<80xi32, #tpu.memory_space<vmem>>
    %dma_wait3A_95 = arith.constant 0 : i32
    %dma_wait3A_96 = arith.constant 0 : i32
    %dma_wait3A_97 = tpu.memref_slice %arg11[%dma_wait3A_95, %dma_wait3A_96] : memref<10240x128xf32, #tpu.memory_space<vmem_shared>> -> memref<10240x128xf32, #tpu.memory_space<vmem_shared>>
    tpu.wait_indirect_dma semaphore(%arg16 : memref<!tpu.dma_semaphore, #tpu.memory_space<semaphore_mem>>) src(%arg10 : memref<80x128xf32, #tpu.memory_space<vmem>>) dst(%dma_wait3A_97 : memref<10240x128xf32, #tpu.memory_space<vmem_shared>>)
    %dma_start3A_98 = arith.constant 1 : i32
    %dma_start3A_99 = arith.constant 0 : i32
    %dma_start3A_100 = arith.constant 0 : i32
    %dma_start3A_101 = tpu.memref_slice %arg3[%add3A, %dma_start3A_98, %dma_start3A_99, %dma_start3A_100] : memref<32x2x64x80xi32, #tpu.memory_space<hbm>> -> memref<1x1x64x80xi32, #tpu.memory_space<hbm>>
    %dma_start3A_102 = tpu.memref_squeeze %dma_start3A_101 : memref<1x1x64x80xi32, #tpu.memory_space<hbm>> -> memref<64x80xi32, #tpu.memory_space<hbm>>
    %dma_start3A_103 = arith.constant 0 : i32
    %dma_start3A_104 = arith.constant 0 : i32
    %dma_start3A_105 = tpu.memref_slice %arg3[%add3A, %dma_start3A_98, %dma_start3A_103, %dma_start3A_104] : memref<32x2x64x80xi32, #tpu.memory_space<hbm>> -> memref<1x1x64x80xi32, #tpu.memory_space<hbm>>
    %dma_start3A_106 = tpu.memref_squeeze %dma_start3A_105 : memref<1x1x64x80xi32, #tpu.memory_space<hbm>> -> memref<64x80xi32, #tpu.memory_space<hbm>>
    tpu.enqueue_dma source(%dma_start3A_106 : memref<64x80xi32, #tpu.memory_space<hbm>>) target(%arg7 : memref<64x80xi32, #tpu.memory_space<vmem>>) target_semaphore(%arg12 : memref<!tpu.dma_semaphore, #tpu.memory_space<semaphore_mem>>)
    %dma_start3A_107 = arith.constant 1 : i32
    %dma_start3A_108 = arith.constant 0 : i32
    %dma_start3A_109 = arith.constant 0 : i32
    %dma_start3A_110 = tpu.memref_slice %arg4[%add3A, %dma_start3A_107, %dma_start3A_108, %dma_start3A_109] : memref<32x2x64x80xi32, #tpu.memory_space<hbm>> -> memref<1x1x64x80xi32, #tpu.memory_space<hbm>>
    %dma_start3A_111 = tpu.memref_squeeze %dma_start3A_110 : memref<1x1x64x80xi32, #tpu.memory_space<hbm>> -> memref<64x80xi32, #tpu.memory_space<hbm>>
    %dma_start3A_112 = arith.constant 0 : i32
    %dma_start3A_113 = arith.constant 0 : i32
    %dma_start3A_114 = tpu.memref_slice %arg4[%add3A, %dma_start3A_107, %dma_start3A_112, %dma_start3A_113] : memref<32x2x64x80xi32, #tpu.memory_space<hbm>> -> memref<1x1x64x80xi32, #tpu.memory_space<hbm>>
    %dma_start3A_115 = tpu.memref_squeeze %dma_start3A_114 : memref<1x1x64x80xi32, #tpu.memory_space<hbm>> -> memref<64x80xi32, #tpu.memory_space<hbm>>
    tpu.enqueue_dma source(%dma_start3A_115 : memref<64x80xi32, #tpu.memory_space<hbm>>) target(%arg8 : memref<64x80xi32, #tpu.memory_space<vmem>>) target_semaphore(%arg12 : memref<!tpu.dma_semaphore, #tpu.memory_space<semaphore_mem>>)
    %dma_wait3A_116 = arith.constant 1 : i32
    %dma_wait3A_117 = arith.constant 0 : i32
    %dma_wait3A_118 = arith.constant 0 : i32
    %dma_wait3A_119 = tpu.memref_slice %arg3[%add3A, %dma_wait3A_116, %dma_wait3A_117, %dma_wait3A_118] : memref<32x2x64x80xi32, #tpu.memory_space<hbm>> -> memref<1x1x64x80xi32, #tpu.memory_space<hbm>>
    %dma_wait3A_120 = tpu.memref_squeeze %dma_wait3A_119 : memref<1x1x64x80xi32, #tpu.memory_space<hbm>> -> memref<64x80xi32, #tpu.memory_space<hbm>>
    %dma_wait3A_121 = arith.constant 0 : i32
    %dma_wait3A_122 = arith.constant 0 : i32
    %dma_wait3A_123 = tpu.memref_slice %arg3[%add3A, %dma_wait3A_116, %dma_wait3A_121, %dma_wait3A_122] : memref<32x2x64x80xi32, #tpu.memory_space<hbm>> -> memref<1x1x64x80xi32, #tpu.memory_space<hbm>>
    %dma_wait3A_124 = tpu.memref_squeeze %dma_wait3A_123 : memref<1x1x64x80xi32, #tpu.memory_space<hbm>> -> memref<64x80xi32, #tpu.memory_space<hbm>>
    tpu.wait_dma2 semaphore(%arg12 : memref<!tpu.dma_semaphore, #tpu.memory_space<semaphore_mem>>) src(%dma_wait3A_124 : memref<64x80xi32, #tpu.memory_space<hbm>>) dst(%arg7 : memref<64x80xi32, #tpu.memory_space<vmem>>)
    %dma_wait3A_125 = arith.constant 1 : i32
    %dma_wait3A_126 = arith.constant 0 : i32
    %dma_wait3A_127 = arith.constant 0 : i32
    %dma_wait3A_128 = tpu.memref_slice %arg4[%add3A, %dma_wait3A_125, %dma_wait3A_126, %dma_wait3A_127] : memref<32x2x64x80xi32, #tpu.memory_space<hbm>> -> memref<1x1x64x80xi32, #tpu.memory_space<hbm>>
    %dma_wait3A_129 = tpu.memref_squeeze %dma_wait3A_128 : memref<1x1x64x80xi32, #tpu.memory_space<hbm>> -> memref<64x80xi32, #tpu.memory_space<hbm>>
    %dma_wait3A_130 = arith.constant 0 : i32
    %dma_wait3A_131 = arith.constant 0 : i32
    %dma_wait3A_132 = tpu.memref_slice %arg4[%add3A, %dma_wait3A_125, %dma_wait3A_130, %dma_wait3A_131] : memref<32x2x64x80xi32, #tpu.memory_space<hbm>> -> memref<1x1x64x80xi32, #tpu.memory_space<hbm>>
    %dma_wait3A_133 = tpu.memref_squeeze %dma_wait3A_132 : memref<1x1x64x80xi32, #tpu.memory_space<hbm>> -> memref<64x80xi32, #tpu.memory_space<hbm>>
    tpu.wait_dma2 semaphore(%arg12 : memref<!tpu.dma_semaphore, #tpu.memory_space<semaphore_mem>>) src(%dma_wait3A_133 : memref<64x80xi32, #tpu.memory_space<hbm>>) dst(%arg8 : memref<64x80xi32, #tpu.memory_space<vmem>>)
    %dma_start3A_134 = arith.constant 0 : i32
    %dma_start3A_135 = arith.constant 0 : i32
    %dma_start3A_136 = tpu.memref_slice %arg7[%dma_start3A_134, %dma_start3A_135] : memref<64x80xi32, #tpu.memory_space<vmem>> -> memref<1x80xi32, #tpu.memory_space<vmem>>
    %dma_start3A_137 = tpu.memref_squeeze %dma_start3A_136 : memref<1x80xi32, #tpu.memory_space<vmem>> -> memref<80xi32, #tpu.memory_space<vmem>>
    %dma_start3A_138 = arith.constant 0 : i32
    %dma_start3A_139 = arith.constant 0 : i32
    %dma_start3A_140 = tpu.memref_slice %arg2[%dma_start3A_138, %dma_start3A_139] : memref<10000x128xf32, #tpu.memory_space<hbm>> -> memref<10000x128xf32, #tpu.memory_space<hbm>>
    tpu.enqueue_indirect_dma source(%dma_start3A_140 : memref<10000x128xf32, #tpu.memory_space<hbm>>) target(%arg9 : memref<80x128xf32, #tpu.memory_space<vmem>>) offsets(%dma_start3A_137 : memref<80xi32, #tpu.memory_space<vmem>>) semaphore(%arg13 : memref<!tpu.dma_semaphore, #tpu.memory_space<semaphore_mem>>)
    %dma_start3A_141 = arith.constant 1 : i32
    %dma_start3A_142 = arith.constant 0 : i32
    %dma_start3A_143 = tpu.memref_slice %arg7[%dma_start3A_141, %dma_start3A_142] : memref<64x80xi32, #tpu.memory_space<vmem>> -> memref<1x80xi32, #tpu.memory_space<vmem>>
    %dma_start3A_144 = tpu.memref_squeeze %dma_start3A_143 : memref<1x80xi32, #tpu.memory_space<vmem>> -> memref<80xi32, #tpu.memory_space<vmem>>
    %dma_start3A_145 = arith.constant 0 : i32
    %dma_start3A_146 = arith.constant 0 : i32
    %dma_start3A_147 = tpu.memref_slice %arg2[%dma_start3A_145, %dma_start3A_146] : memref<10000x128xf32, #tpu.memory_space<hbm>> -> memref<10000x128xf32, #tpu.memory_space<hbm>>
    tpu.enqueue_indirect_dma source(%dma_start3A_147 : memref<10000x128xf32, #tpu.memory_space<hbm>>) target(%arg10 : memref<80x128xf32, #tpu.memory_space<vmem>>) offsets(%dma_start3A_144 : memref<80xi32, #tpu.memory_space<vmem>>) semaphore(%arg14 : memref<!tpu.dma_semaphore, #tpu.memory_space<semaphore_mem>>)
    %scan3A_148 = arith.constant 0 : i32
    %scan3A_149 = arith.constant 0 : i32
    %scan3A_150 = arith.constant 31 : i32
    %scan3A_151 = arith.addi %scan3A_149, %scan3A_150 : i32
    %scan3A_152 = arith.constant 1 : i32
    scf.for %scan3A_201 = %scan3A_149 to %scan3A_151 step %scan3A_152  : i32 {
      %mul3A_202 = arith.constant 2 : i32
      %mul3A_203 = arith.muli %mul3A_202, %scan3A_201 : i32
      %add3A_204 = arith.constant 1 : i32
      %add3A_205 = arith.addi %mul3A_203, %add3A_204 : i32
      %dma_wait3A_206 = arith.constant 0 : i32
      %dma_wait3A_207 = tpu.memref_slice %arg7[%mul3A_203, %dma_wait3A_206] : memref<64x80xi32, #tpu.memory_space<vmem>> -> memref<1x80xi32, #tpu.memory_space<vmem>>
      %dma_wait3A_208 = tpu.memref_squeeze %dma_wait3A_207 : memref<1x80xi32, #tpu.memory_space<vmem>> -> memref<80xi32, #tpu.memory_space<vmem>>
      %dma_wait3A_209 = arith.constant 0 : i32
      %dma_wait3A_210 = arith.constant 0 : i32
      %dma_wait3A_211 = tpu.memref_slice %arg2[%dma_wait3A_209, %dma_wait3A_210] : memref<10000x128xf32, #tpu.memory_space<hbm>> -> memref<10000x128xf32, #tpu.memory_space<hbm>>
      tpu.wait_indirect_dma semaphore(%arg13 : memref<!tpu.dma_semaphore, #tpu.memory_space<semaphore_mem>>) src(%dma_wait3A_211 : memref<10000x128xf32, #tpu.memory_space<hbm>>) dst(%arg9 : memref<80x128xf32, #tpu.memory_space<vmem>>)
      %dma_start3A_212 = arith.constant 0 : i32
      %dma_start3A_213 = tpu.memref_slice %arg8[%mul3A_203, %dma_start3A_212] : memref<64x80xi32, #tpu.memory_space<vmem>> -> memref<1x80xi32, #tpu.memory_space<vmem>>
      %dma_start3A_214 = tpu.memref_squeeze %dma_start3A_213 : memref<1x80xi32, #tpu.memory_space<vmem>> -> memref<80xi32, #tpu.memory_space<vmem>>
      %dma_start3A_215 = arith.constant 0 : i32
      %dma_start3A_216 = arith.constant 0 : i32
      %dma_start3A_217 = tpu.memref_slice %arg11[%dma_start3A_215, %dma_start3A_216] : memref<10240x128xf32, #tpu.memory_space<vmem_shared>> -> memref<10240x128xf32, #tpu.memory_space<vmem_shared>>
      tpu.enqueue_indirect_dma source(%arg9 : memref<80x128xf32, #tpu.memory_space<vmem>>) target(%dma_start3A_217 : memref<10240x128xf32, #tpu.memory_space<vmem_shared>>) offsets(%dma_start3A_214 : memref<80xi32, #tpu.memory_space<vmem>>) semaphore(%arg15 : memref<!tpu.dma_semaphore, #tpu.memory_space<semaphore_mem>>) {add = true}
      %dma_wait3A_218 = arith.constant 0 : i32
      %dma_wait3A_219 = tpu.memref_slice %arg7[%add3A_205, %dma_wait3A_218] : memref<64x80xi32, #tpu.memory_space<vmem>> -> memref<1x80xi32, #tpu.memory_space<vmem>>
      %dma_wait3A_220 = tpu.memref_squeeze %dma_wait3A_219 : memref<1x80xi32, #tpu.memory_space<vmem>> -> memref<80xi32, #tpu.memory_space<vmem>>
      %dma_wait3A_221 = arith.constant 0 : i32
      %dma_wait3A_222 = arith.constant 0 : i32
      %dma_wait3A_223 = tpu.memref_slice %arg2[%dma_wait3A_221, %dma_wait3A_222] : memref<10000x128xf32, #tpu.memory_space<hbm>> -> memref<10000x128xf32, #tpu.memory_space<hbm>>
      tpu.wait_indirect_dma semaphore(%arg14 : memref<!tpu.dma_semaphore, #tpu.memory_space<semaphore_mem>>) src(%dma_wait3A_223 : memref<10000x128xf32, #tpu.memory_space<hbm>>) dst(%arg10 : memref<80x128xf32, #tpu.memory_space<vmem>>)
      %dma_start3A_224 = arith.constant 0 : i32
      %dma_start3A_225 = tpu.memref_slice %arg8[%add3A_205, %dma_start3A_224] : memref<64x80xi32, #tpu.memory_space<vmem>> -> memref<1x80xi32, #tpu.memory_space<vmem>>
      %dma_start3A_226 = tpu.memref_squeeze %dma_start3A_225 : memref<1x80xi32, #tpu.memory_space<vmem>> -> memref<80xi32, #tpu.memory_space<vmem>>
      %dma_start3A_227 = arith.constant 0 : i32
      %dma_start3A_228 = arith.constant 0 : i32
      %dma_start3A_229 = tpu.memref_slice %arg11[%dma_start3A_227, %dma_start3A_228] : memref<10240x128xf32, #tpu.memory_space<vmem_shared>> -> memref<10240x128xf32, #tpu.memory_space<vmem_shared>>
      tpu.enqueue_indirect_dma source(%arg10 : memref<80x128xf32, #tpu.memory_space<vmem>>) target(%dma_start3A_229 : memref<10240x128xf32, #tpu.memory_space<vmem_shared>>) offsets(%dma_start3A_226 : memref<80xi32, #tpu.memory_space<vmem>>) semaphore(%arg16 : memref<!tpu.dma_semaphore, #tpu.memory_space<semaphore_mem>>) {add = true}
      %dma_wait3A_230 = arith.constant 0 : i32
      %dma_wait3A_231 = tpu.memref_slice %arg8[%mul3A_203, %dma_wait3A_230] : memref<64x80xi32, #tpu.memory_space<vmem>> -> memref<1x80xi32, #tpu.memory_space<vmem>>
      %dma_wait3A_232 = tpu.memref_squeeze %dma_wait3A_231 : memref<1x80xi32, #tpu.memory_space<vmem>> -> memref<80xi32, #tpu.memory_space<vmem>>
      %dma_wait3A_233 = arith.constant 0 : i32
      %dma_wait3A_234 = arith.constant 0 : i32
      %dma_wait3A_235 = tpu.memref_slice %arg11[%dma_wait3A_233, %dma_wait3A_234] : memref<10240x128xf32, #tpu.memory_space<vmem_shared>> -> memref<10240x128xf32, #tpu.memory_space<vmem_shared>>
      tpu.wait_indirect_dma semaphore(%arg15 : memref<!tpu.dma_semaphore, #tpu.memory_space<semaphore_mem>>) src(%arg9 : memref<80x128xf32, #tpu.memory_space<vmem>>) dst(%dma_wait3A_235 : memref<10240x128xf32, #tpu.memory_space<vmem_shared>>)
      %add3A_236 = arith.constant 2 : i32
      %add3A_237 = arith.addi %mul3A_203, %add3A_236 : i32
      %dma_start3A_238 = arith.constant 0 : i32
      %dma_start3A_239 = tpu.memref_slice %arg7[%add3A_237, %dma_start3A_238] : memref<64x80xi32, #tpu.memory_space<vmem>> -> memref<1x80xi32, #tpu.memory_space<vmem>>
      %dma_start3A_240 = tpu.memref_squeeze %dma_start3A_239 : memref<1x80xi32, #tpu.memory_space<vmem>> -> memref<80xi32, #tpu.memory_space<vmem>>
      %dma_start3A_241 = arith.constant 0 : i32
      %dma_start3A_242 = arith.constant 0 : i32
      %dma_start3A_243 = tpu.memref_slice %arg2[%dma_start3A_241, %dma_start3A_242] : memref<10000x128xf32, #tpu.memory_space<hbm>> -> memref<10000x128xf32, #tpu.memory_space<hbm>>
      tpu.enqueue_indirect_dma source(%dma_start3A_243 : memref<10000x128xf32, #tpu.memory_space<hbm>>) target(%arg9 : memref<80x128xf32, #tpu.memory_space<vmem>>) offsets(%dma_start3A_240 : memref<80xi32, #tpu.memory_space<vmem>>) semaphore(%arg13 : memref<!tpu.dma_semaphore, #tpu.memory_space<semaphore_mem>>)
      %dma_wait3A_244 = arith.constant 0 : i32
      %dma_wait3A_245 = tpu.memref_slice %arg8[%add3A_205, %dma_wait3A_244] : memref<64x80xi32, #tpu.memory_space<vmem>> -> memref<1x80xi32, #tpu.memory_space<vmem>>
      %dma_wait3A_246 = tpu.memref_squeeze %dma_wait3A_245 : memref<1x80xi32, #tpu.memory_space<vmem>> -> memref<80xi32, #tpu.memory_space<vmem>>
      %dma_wait3A_247 = arith.constant 0 : i32
      %dma_wait3A_248 = arith.constant 0 : i32
      %dma_wait3A_249 = tpu.memref_slice %arg11[%dma_wait3A_247, %dma_wait3A_248] : memref<10240x128xf32, #tpu.memory_space<vmem_shared>> -> memref<10240x128xf32, #tpu.memory_space<vmem_shared>>
      tpu.wait_indirect_dma semaphore(%arg16 : memref<!tpu.dma_semaphore, #tpu.memory_space<semaphore_mem>>) src(%arg10 : memref<80x128xf32, #tpu.memory_space<vmem>>) dst(%dma_wait3A_249 : memref<10240x128xf32, #tpu.memory_space<vmem_shared>>)
      %add3A_250 = arith.constant 2 : i32
      %add3A_251 = arith.addi %add3A_205, %add3A_250 : i32
      %dma_start3A_252 = arith.constant 0 : i32
      %dma_start3A_253 = tpu.memref_slice %arg7[%add3A_251, %dma_start3A_252] : memref<64x80xi32, #tpu.memory_space<vmem>> -> memref<1x80xi32, #tpu.memory_space<vmem>>
      %dma_start3A_254 = tpu.memref_squeeze %dma_start3A_253 : memref<1x80xi32, #tpu.memory_space<vmem>> -> memref<80xi32, #tpu.memory_space<vmem>>
      %dma_start3A_255 = arith.constant 0 : i32
      %dma_start3A_256 = arith.constant 0 : i32
      %dma_start3A_257 = tpu.memref_slice %arg2[%dma_start3A_255, %dma_start3A_256] : memref<10000x128xf32, #tpu.memory_space<hbm>> -> memref<10000x128xf32, #tpu.memory_space<hbm>>
      tpu.enqueue_indirect_dma source(%dma_start3A_257 : memref<10000x128xf32, #tpu.memory_space<hbm>>) target(%arg10 : memref<80x128xf32, #tpu.memory_space<vmem>>) offsets(%dma_start3A_254 : memref<80xi32, #tpu.memory_space<vmem>>) semaphore(%arg14 : memref<!tpu.dma_semaphore, #tpu.memory_space<semaphore_mem>>)
    }
    %scan3A_153 = arith.constant 31 : i32
    %dma_wait3A_154 = arith.constant 62 : i32
    %dma_wait3A_155 = arith.constant 0 : i32
    %dma_wait3A_156 = tpu.memref_slice %arg7[%dma_wait3A_154, %dma_wait3A_155] : memref<64x80xi32, #tpu.memory_space<vmem>> -> memref<1x80xi32, #tpu.memory_space<vmem>>
    %dma_wait3A_157 = tpu.memref_squeeze %dma_wait3A_156 : memref<1x80xi32, #tpu.memory_space<vmem>> -> memref<80xi32, #tpu.memory_space<vmem>>
    %dma_wait3A_158 = arith.constant 0 : i32
    %dma_wait3A_159 = arith.constant 0 : i32
    %dma_wait3A_160 = tpu.memref_slice %arg2[%dma_wait3A_158, %dma_wait3A_159] : memref<10000x128xf32, #tpu.memory_space<hbm>> -> memref<10000x128xf32, #tpu.memory_space<hbm>>
    tpu.wait_indirect_dma semaphore(%arg13 : memref<!tpu.dma_semaphore, #tpu.memory_space<semaphore_mem>>) src(%dma_wait3A_160 : memref<10000x128xf32, #tpu.memory_space<hbm>>) dst(%arg9 : memref<80x128xf32, #tpu.memory_space<vmem>>)
    %dma_start3A_161 = arith.constant 62 : i32
    %dma_start3A_162 = arith.constant 0 : i32
    %dma_start3A_163 = tpu.memref_slice %arg8[%dma_start3A_161, %dma_start3A_162] : memref<64x80xi32, #tpu.memory_space<vmem>> -> memref<1x80xi32, #tpu.memory_space<vmem>>
    %dma_start3A_164 = tpu.memref_squeeze %dma_start3A_163 : memref<1x80xi32, #tpu.memory_space<vmem>> -> memref<80xi32, #tpu.memory_space<vmem>>
    %dma_start3A_165 = arith.constant 0 : i32
    %dma_start3A_166 = arith.constant 0 : i32
    %dma_start3A_167 = tpu.memref_slice %arg11[%dma_start3A_165, %dma_start3A_166] : memref<10240x128xf32, #tpu.memory_space<vmem_shared>> -> memref<10240x128xf32, #tpu.memory_space<vmem_shared>>
    tpu.enqueue_indirect_dma source(%arg9 : memref<80x128xf32, #tpu.memory_space<vmem>>) target(%dma_start3A_167 : memref<10240x128xf32, #tpu.memory_space<vmem_shared>>) offsets(%dma_start3A_164 : memref<80xi32, #tpu.memory_space<vmem>>) semaphore(%arg15 : memref<!tpu.dma_semaphore, #tpu.memory_space<semaphore_mem>>) {add = true}
    %dma_wait3A_168 = arith.constant 63 : i32
    %dma_wait3A_169 = arith.constant 0 : i32
    %dma_wait3A_170 = tpu.memref_slice %arg7[%dma_wait3A_168, %dma_wait3A_169] : memref<64x80xi32, #tpu.memory_space<vmem>> -> memref<1x80xi32, #tpu.memory_space<vmem>>
    %dma_wait3A_171 = tpu.memref_squeeze %dma_wait3A_170 : memref<1x80xi32, #tpu.memory_space<vmem>> -> memref<80xi32, #tpu.memory_space<vmem>>
    %dma_wait3A_172 = arith.constant 0 : i32
    %dma_wait3A_173 = arith.constant 0 : i32
    %dma_wait3A_174 = tpu.memref_slice %arg2[%dma_wait3A_172, %dma_wait3A_173] : memref<10000x128xf32, #tpu.memory_space<hbm>> -> memref<10000x128xf32, #tpu.memory_space<hbm>>
    tpu.wait_indirect_dma semaphore(%arg14 : memref<!tpu.dma_semaphore, #tpu.memory_space<semaphore_mem>>) src(%dma_wait3A_174 : memref<10000x128xf32, #tpu.memory_space<hbm>>) dst(%arg10 : memref<80x128xf32, #tpu.memory_space<vmem>>)
    %dma_start3A_175 = arith.constant 63 : i32
    %dma_start3A_176 = arith.constant 0 : i32
    %dma_start3A_177 = tpu.memref_slice %arg8[%dma_start3A_175, %dma_start3A_176] : memref<64x80xi32, #tpu.memory_space<vmem>> -> memref<1x80xi32, #tpu.memory_space<vmem>>
    %dma_start3A_178 = tpu.memref_squeeze %dma_start3A_177 : memref<1x80xi32, #tpu.memory_space<vmem>> -> memref<80xi32, #tpu.memory_space<vmem>>
    %dma_start3A_179 = arith.constant 0 : i32
    %dma_start3A_180 = arith.constant 0 : i32
    %dma_start3A_181 = tpu.memref_slice %arg11[%dma_start3A_179, %dma_start3A_180] : memref<10240x128xf32, #tpu.memory_space<vmem_shared>> -> memref<10240x128xf32, #tpu.memory_space<vmem_shared>>
    tpu.enqueue_indirect_dma source(%arg10 : memref<80x128xf32, #tpu.memory_space<vmem>>) target(%dma_start3A_181 : memref<10240x128xf32, #tpu.memory_space<vmem_shared>>) offsets(%dma_start3A_178 : memref<80xi32, #tpu.memory_space<vmem>>) semaphore(%arg16 : memref<!tpu.dma_semaphore, #tpu.memory_space<semaphore_mem>>) {add = true}
    %dma_wait3A_182 = arith.constant 62 : i32
    %dma_wait3A_183 = arith.constant 0 : i32
    %dma_wait3A_184 = tpu.memref_slice %arg8[%dma_wait3A_182, %dma_wait3A_183] : memref<64x80xi32, #tpu.memory_space<vmem>> -> memref<1x80xi32, #tpu.memory_space<vmem>>
    %dma_wait3A_185 = tpu.memref_squeeze %dma_wait3A_184 : memref<1x80xi32, #tpu.memory_space<vmem>> -> memref<80xi32, #tpu.memory_space<vmem>>
    %dma_wait3A_186 = arith.constant 0 : i32
    %dma_wait3A_187 = arith.constant 0 : i32
    %dma_wait3A_188 = tpu.memref_slice %arg11[%dma_wait3A_186, %dma_wait3A_187] : memref<10240x128xf32, #tpu.memory_space<vmem_shared>> -> memref<10240x128xf32, #tpu.memory_space<vmem_shared>>
    tpu.wait_indirect_dma semaphore(%arg15 : memref<!tpu.dma_semaphore, #tpu.memory_space<semaphore_mem>>) src(%arg9 : memref<80x128xf32, #tpu.memory_space<vmem>>) dst(%dma_wait3A_188 : memref<10240x128xf32, #tpu.memory_space<vmem_shared>>)
    %dma_wait3A_189 = arith.constant 63 : i32
    %dma_wait3A_190 = arith.constant 0 : i32
    %dma_wait3A_191 = tpu.memref_slice %arg8[%dma_wait3A_189, %dma_wait3A_190] : memref<64x80xi32, #tpu.memory_space<vmem>> -> memref<1x80xi32, #tpu.memory_space<vmem>>
    %dma_wait3A_192 = tpu.memref_squeeze %dma_wait3A_191 : memref<1x80xi32, #tpu.memory_space<vmem>> -> memref<80xi32, #tpu.memory_space<vmem>>
    %dma_wait3A_193 = arith.constant 0 : i32
    %dma_wait3A_194 = arith.constant 0 : i32
    %dma_wait3A_195 = tpu.memref_slice %arg11[%dma_wait3A_193, %dma_wait3A_194] : memref<10240x128xf32, #tpu.memory_space<vmem_shared>> -> memref<10240x128xf32, #tpu.memory_space<vmem_shared>>
    tpu.wait_indirect_dma semaphore(%arg16 : memref<!tpu.dma_semaphore, #tpu.memory_space<semaphore_mem>>) src(%arg10 : memref<80x128xf32, #tpu.memory_space<vmem>>) dst(%dma_wait3A_195 : memref<10240x128xf32, #tpu.memory_space<vmem_shared>>)
    %barrier3A_196 = arith.constant 0 : index
    tpu.barrier barrier_id(%barrier3A_196)
    %mul3A_197 = arith.constant 640 : i32
    %mul3A_198 = arith.muli %arg1, %mul3A_197 : i32
    %mul3A_199 = arith.constant 640 : i32
    %mul3A_200 = arith.muli %arg1, %mul3A_199 : i32
    "tpu.region"() ({
      %run_scoped3A = tpu.sem_alloc : memref<!tpu.dma_semaphore, #tpu.memory_space<semaphore_mem>>
      %dma_start3A_201 = arith.constant 0 : i32
      %dma_start3A_202 = tpu.memref_slice %arg6[%arg0, %mul3A_200, %dma_start3A_201] : memref<2x10240x128xf32, #tpu.memory_space<hbm>> -> memref<1x640x128xf32, #tpu.memory_space<hbm>>
      %dma_start3A_203 = tpu.memref_squeeze %dma_start3A_202 : memref<1x640x128xf32, #tpu.memory_space<hbm>> -> memref<640x128xf32, #tpu.memory_space<hbm>>
      %dma_start3A_204 = arith.constant 0 : i32
      %dma_start3A_205 = tpu.memref_slice %arg11[%mul3A_198, %dma_start3A_204] : memref<10240x128xf32, #tpu.memory_space<vmem_shared>> -> memref<640x128xf32, #tpu.memory_space<vmem_shared>>
      tpu.enqueue_dma source(%dma_start3A_205 : memref<640x128xf32, #tpu.memory_space<vmem_shared>>) target(%dma_start3A_203 : memref<640x128xf32, #tpu.memory_space<hbm>>) target_semaphore(%run_scoped3A : memref<!tpu.dma_semaphore, #tpu.memory_space<semaphore_mem>>)
      %dma_wait3A_206 = arith.constant 0 : i32
      %dma_wait3A_207 = tpu.memref_slice %arg6[%arg0, %mul3A_200, %dma_wait3A_206] : memref<2x10240x128xf32, #tpu.memory_space<hbm>> -> memref<1x640x128xf32, #tpu.memory_space<hbm>>
      %dma_wait3A_208 = tpu.memref_squeeze %dma_wait3A_207 : memref<1x640x128xf32, #tpu.memory_space<hbm>> -> memref<640x128xf32, #tpu.memory_space<hbm>>
      %dma_wait3A_209 = arith.constant 0 : i32
      %dma_wait3A_210 = tpu.memref_slice %arg11[%mul3A_198, %dma_wait3A_209] : memref<10240x128xf32, #tpu.memory_space<vmem_shared>> -> memref<640x128xf32, #tpu.memory_space<vmem_shared>>
      tpu.wait_dma2 semaphore(%run_scoped3A : memref<!tpu.dma_semaphore, #tpu.memory_space<semaphore_mem>>) src(%dma_wait3A_210 : memref<640x128xf32, #tpu.memory_space<vmem_shared>>) dst(%dma_wait3A_208 : memref<640x128xf32, #tpu.memory_space<hbm>>)
      tpu.yield
    }) : () -> ()
    return
  }
}

module attributes {stable_mosaic.version = 14 : i64} {
  func.func @_mm_body(%arg0: memref<10000x128xf32, #tpu.memory_space<vmem>>, %arg1: memref<128x128xf32, #tpu.memory_space<vmem>>, %arg2: memref<1x128xf32, #tpu.memory_space<vmem>>, %arg3: memref<10000x128xf32, #tpu.memory_space<vmem>>) attributes {dimension_semantics = [], scalar_prefetch = 0 : i64, scratch_operands = 0 : i64, tpu.core_type = #tpu.core_type<tc>} {
    %get3A = arith.constant 0 : index
    %get3A_0 = arith.constant 0 : index
    %get3A_1 = vector.load %arg0[%get3A, %get3A_0] : memref<10000x128xf32, #tpu.memory_space<vmem>>, vector<10000x128xf32>
    %get3A_2 = arith.constant 0 : index
    %get3A_3 = arith.constant 0 : index
    %get3A_4 = vector.load %arg1[%get3A_2, %get3A_3] : memref<128x128xf32, #tpu.memory_space<vmem>>, vector<128x128xf32>
    %dot_general3A = arith.constant dense<0.000000e+00> : vector<10000x128xf32>
    %dot_general3A_5 = tpu.matmul %get3A_1, %get3A_4, %dot_general3A {dimension_numbers = #tpu.dot_dimension_numbers<[1], [0], [0], [1], [0, 0, 1, 1], [], []>, transpose_lhs_hint = false} : vector<10000x128xf32>, vector<128x128xf32>, vector<10000x128xf32> -> vector<10000x128xf32>
    %get3A_6 = arith.constant 0 : index
    %get3A_7 = arith.constant 0 : index
    %get3A_8 = vector.load %arg2[%get3A_6, %get3A_7] : memref<1x128xf32, #tpu.memory_space<vmem>>, vector<1x128xf32>
    %add3A = vector.broadcast %get3A_8 : vector<1x128xf32> to vector<10000x128xf32>
    %add3A_9 = arith.addf %dot_general3A_5, %add3A : vector<10000x128xf32>
    %swap3A = arith.constant 0 : index
    %swap3A_10 = arith.constant 0 : index
    %swap3A_11 = vector.load %arg3[%swap3A, %swap3A_10] : memref<10000x128xf32, #tpu.memory_space<vmem>>, vector<10000x128xf32>
    tpu.vector_store %arg3[%swap3A, %swap3A_10], %add3A_9 {strides = array<i32>} : memref<10000x128xf32, #tpu.memory_space<vmem>>, vector<10000x128xf32>,
    return
  }
}

module attributes {stable_mosaic.version = 14 : i64} {
  func.func @_finish_body(%arg0: memref<2x10240x128xf32, #tpu.memory_space<vmem>>, %arg1: memref<1x128xf32, #tpu.memory_space<vmem>>, %arg2: memref<1x128xf32, #tpu.memory_space<vmem>>, %arg3: memref<1x128xf32, #tpu.memory_space<vmem>>, %arg4: memref<1x128xf32, #tpu.memory_space<vmem>>, %arg5: memref<1x1xf32, #tpu.memory_space<vmem>>, %arg6: memref<1x1xf32, #tpu.memory_space<vmem>>) attributes {dimension_semantics = [], scalar_prefetch = 0 : i64, scratch_operands = 0 : i64, tpu.core_type = #tpu.core_type<tc>} {
    %iota3A = tpu.iota {dimensions = array<i32: 0>} : vector<10240x1xi32>
    %lt3A = arith.constant 10000 : i32
    %lt3A_0 = vector.broadcast %lt3A : i32 to vector<10240x1xi32>
    %lt3A_1 = arith.cmpi slt, %iota3A, %lt3A_0 : vector<10240x1xi32>
    %get3A = arith.constant 0 : index
    %get3A_2 = arith.constant 0 : index
    %get3A_3 = arith.constant 0 : index
    %get3A_4 = vector.load %arg0[%get3A, %get3A_2, %get3A_3] : memref<2x10240x128xf32, #tpu.memory_space<vmem>>, vector<1x10240x128xf32>
    %get3A_5 = vector.shape_cast %get3A_4 : vector<1x10240x128xf32> to vector<10240x128xf32>
    %get3A_6 = arith.constant 1 : index
    %get3A_7 = arith.constant 0 : index
    %get3A_8 = arith.constant 0 : index
    %get3A_9 = vector.load %arg0[%get3A_6, %get3A_7, %get3A_8] : memref<2x10240x128xf32, #tpu.memory_space<vmem>>, vector<1x10240x128xf32>
    %get3A_10 = vector.shape_cast %get3A_9 : vector<1x10240x128xf32> to vector<10240x128xf32>
    %add3A = arith.addf %get3A_5, %get3A_10 : vector<10240x128xf32>
    %jit3A = arith.constant 0.000000e+00 : f32
    %broadcast_in_dim3A = vector.shape_cast %lt3A_1 : vector<10240x1xi1> to vector<10240x1xi1>
    %broadcast_in_dim3A_11 = vector.broadcast %broadcast_in_dim3A : vector<10240x1xi1> to vector<10240x128xi1>
    %broadcast_in_dim3A_12 = vector.broadcast %jit3A : f32 to vector<10240x128xf32>
    %select_n3A = arith.select %broadcast_in_dim3A_11, %add3A, %broadcast_in_dim3A_12 : vector<10240x128xi1>, vector<10240x128xf32>
    %reduce_sum3A = arith.constant dense<0.000000e+00> : vector<128xf32>
    %reduce_sum3A_13 = vector.multi_reduction <add>, %select_n3A, %reduce_sum3A [0] : vector<10240x128xf32> to vector<128xf32>
    %broadcast_in_dim3A_14 = vector.shape_cast %reduce_sum3A_13 : vector<128xf32> to vector<1x128xf32>
    %div3A = arith.constant 1.000000e+04 : f32
    %div3A_15 = vector.broadcast %div3A : f32 to vector<1x128xf32>
    %div3A_16 = arith.divf %broadcast_in_dim3A_14, %div3A_15 : vector<1x128xf32>
    %mul3A = arith.mulf %select_n3A, %select_n3A : vector<10240x128xf32>
    %reduce_sum3A_17 = arith.constant dense<0.000000e+00> : vector<128xf32>
    %reduce_sum3A_18 = vector.multi_reduction <add>, %mul3A, %reduce_sum3A_17 [0] : vector<10240x128xf32> to vector<128xf32>
    %broadcast_in_dim3A_19 = vector.shape_cast %reduce_sum3A_18 : vector<128xf32> to vector<1x128xf32>
    %div3A_20 = arith.constant 1.000000e+04 : f32
    %div3A_21 = vector.broadcast %div3A_20 : f32 to vector<1x128xf32>
    %div3A_22 = arith.divf %broadcast_in_dim3A_19, %div3A_21 : vector<1x128xf32>
    %mul3A_23 = arith.mulf %div3A_16, %div3A_16 : vector<1x128xf32>
    %sub3A = arith.subf %div3A_22, %mul3A_23 : vector<1x128xf32>
    %get3A_24 = arith.constant 0 : index
    %get3A_25 = arith.constant 0 : index
    %get3A_26 = vector.load %arg1[%get3A_24, %get3A_25] : memref<1x128xf32, #tpu.memory_space<vmem>>, vector<1x128xf32>
    %add3A_27 = arith.constant 1.000000e-03 : f32
    %add3A_28 = vector.broadcast %add3A_27 : f32 to vector<1x128xf32>
    %add3A_29 = arith.addf %sub3A, %add3A_28 : vector<1x128xf32>
    %rsqrt3A = math.rsqrt %add3A_29 : vector<1x128xf32>
    %mul3A_30 = arith.mulf %get3A_26, %rsqrt3A : vector<1x128xf32>
    %sub3A_31 = vector.broadcast %div3A_16 : vector<1x128xf32> to vector<10240x128xf32>
    %sub3A_32 = arith.subf %select_n3A, %sub3A_31 : vector<10240x128xf32>
    %mul3A_33 = vector.broadcast %mul3A_30 : vector<1x128xf32> to vector<10240x128xf32>
    %mul3A_34 = arith.mulf %sub3A_32, %mul3A_33 : vector<10240x128xf32>
    %get3A_35 = arith.constant 0 : index
    %get3A_36 = arith.constant 0 : index
    %get3A_37 = vector.load %arg2[%get3A_35, %get3A_36] : memref<1x128xf32, #tpu.memory_space<vmem>>, vector<1x128xf32>
    %add3A_38 = vector.broadcast %get3A_37 : vector<1x128xf32> to vector<10240x128xf32>
    %add3A_39 = arith.addf %mul3A_34, %add3A_38 : vector<10240x128xf32>
    %gt3A = arith.constant 0.000000e+00 : f32
    %gt3A_40 = vector.broadcast %gt3A : f32 to vector<10240x128xf32>
    %gt3A_41 = arith.cmpf ogt, %add3A_39, %gt3A_40 : vector<10240x128xf32>
    %get3A_42 = arith.constant 0 : index
    %get3A_43 = arith.constant 0 : index
    %get3A_44 = vector.load %arg3[%get3A_42, %get3A_43] : memref<1x128xf32, #tpu.memory_space<vmem>>, vector<1x128xf32>
    %mul3A_45 = vector.broadcast %get3A_44 : vector<1x128xf32> to vector<10240x128xf32>
    %mul3A_46 = arith.mulf %mul3A_45, %add3A_39 : vector<10240x128xf32>
    %select_n3A_47 = arith.select %gt3A_41, %add3A_39, %mul3A_46 : vector<10240x128xi1>, vector<10240x128xf32>
    %jit3A_48 = arith.constant 0.000000e+00 : f32
    %broadcast_in_dim3A_49 = vector.shape_cast %lt3A_1 : vector<10240x1xi1> to vector<10240x1xi1>
    %broadcast_in_dim3A_50 = vector.broadcast %broadcast_in_dim3A_49 : vector<10240x1xi1> to vector<10240x128xi1>
    %broadcast_in_dim3A_51 = vector.broadcast %jit3A_48 : f32 to vector<10240x128xf32>
    %select_n3A_52 = arith.select %broadcast_in_dim3A_50, %select_n3A_47, %broadcast_in_dim3A_51 : vector<10240x128xi1>, vector<10240x128xf32>
    %reduce_sum3A_53 = arith.constant dense<0.000000e+00> : vector<128xf32>
    %reduce_sum3A_54 = vector.multi_reduction <add>, %select_n3A_52, %reduce_sum3A_53 [0] : vector<10240x128xf32> to vector<128xf32>
    %broadcast_in_dim3A_55 = vector.shape_cast %reduce_sum3A_54 : vector<128xf32> to vector<1x128xf32>
    %get3A_56 = arith.constant 0 : index
    %get3A_57 = arith.constant 0 : index
    %get3A_58 = vector.load %arg4[%get3A_56, %get3A_57] : memref<1x128xf32, #tpu.memory_space<vmem>>, vector<1x128xf32>
    %mul3A_59 = arith.mulf %broadcast_in_dim3A_55, %get3A_58 : vector<1x128xf32>
    %reduce_sum3A_60 = vector.shape_cast %mul3A_59 : vector<1x128xf32> to vector<1x1x128xf32>
    %reduce_sum3A_61 = arith.constant dense<0.000000e+00> : vector<1xf32>
    %reduce_sum3A_62 = vector.multi_reduction <add>, %reduce_sum3A_60, %reduce_sum3A_61 [1, 2] : vector<1x1x128xf32> to vector<1xf32>
    %reduce_sum3A_63 = vector.shape_cast %reduce_sum3A_62 : vector<1xf32> to vector<1x1x1xf32>
    %reduce_sum3A_64 = vector.extract %reduce_sum3A_63[0, 0, 0] : f32 from vector<1x1x1xf32>
    %broadcast_in_dim3A_65 = vector.broadcast %reduce_sum3A_64 : f32 to vector<1x1xf32>
    %get3A_66 = arith.constant 0 : index
    %get3A_67 = arith.constant 0 : index
    %get3A_68 = vector.load %arg5[%get3A_66, %get3A_67] : memref<1x1xf32, #tpu.memory_space<vmem>>, vector<1x1xf32>
    %add3A_69 = arith.addf %broadcast_in_dim3A_65, %get3A_68 : vector<1x1xf32>
    %swap3A = arith.constant 0 : index
    %swap3A_70 = arith.constant 0 : index
    %swap3A_71 = vector.load %arg6[%swap3A, %swap3A_70] : memref<1x1xf32, #tpu.memory_space<vmem>>, vector<1x1xf32>
    tpu.vector_store %arg6[%swap3A, %swap3A_70], %add3A_69 {strides = array<i32>} : memref<1x1xf32, #tpu.memory_space<vmem>>, vector<1x1xf32>,
    return
  }
}

</mosaic_0001>

<sc_bundles>
// kernel: kernel.5.cloned.1.call-start
scs
__scs_entry_jumppad:
0x0: {  	(pc) =	sbr.rel $0x88, $3  }
0x1: {  	(tag) =	ssettag $0x0;
	lr =	simm.s32 $0x1  }
0x2: {  	[smem:$0x3F98] =	sst lr;
	_ =	strace $0xD0000000  }
0x3: {  	_ = 	snop  }
0x4: {  	_ = 	snop  }
0x5: {  	_ = 	snop  }
0x6: {  	_ = 	snop  }
0x7: {  	_ = 	snop  }
__scs_overlays_trampoline_lowered:
0x8: {  	[smem:$0x3FA7] =	sst s0  }
0x9: {  	[smem:$0x3FA8] =	sst s1  }
0xa: {  	[smem:$0x3FA9] =	sst s2  }
0xb: {  	[smem:$0x3FAA] =	sst s3  }
0xc: {  	[smem:$0x3FAB] =	sst s4  }
0xd: {  	[smem:$0x3FAC] =	sst s5  }
0xe: {  	[smem:$0x3FAD] =	sst s6  }
0xf: {  	[smem:$0x3FAE] =	sst s7  }
0x10: {  	[smem:$0x3FAF] =	sst s8  }
0x11: {  	[smem:$0x3FB0] =	sst s9;
	s0 =	simm.s32 @!p0 $0x0  }
0x12: {  	s1 =	sld [smem:$0x3F96];
	s0 =	simm.s32 @p0 $0x1  }
0x13: {  	[smem:$0x3FB1] =	sst s0;
	s0 =	simm.s32 @!p1 $0x0  }
0x14: {  	s2 =	sld [smem:$0x3F95];
	s0 =	simm.s32 @p1 $0x1  }
0x15: {  	[smem:$0x3FB2] =	sst s0;
	s0 =	simm.s32 @!p2 $0x0  }
0x16: {  	s3 =	sld [smem:$0x3FDB];
	s0 =	simm.s32 @p2 $0x1  }
0x17: {  	s4 =	simm.s32 $0x1BF5;
	[smem:$0x3FB4] =	sst s0  }
0x18: {  	s0 =	sld [smem:$0x3F97];
	_ =	swait.ge [sflag:s4], $0x0  }
0x19: {  	s7 =	sld [smem:$0x3F98]  }
0x1a: {  	s8 =	sadd.s32 $0xFFFFE003, lr  }
0x1b: {  	s9 =	sadd.s32 $0xFFFFFEF7, lr;
	s5 =	simm.s32 $0xFFFFFFFF;
	p2 =	slt.u32 s8, $0xFFFFF086  }
0x1c: {  	p1 =	slt.u32 s9, $0xF7A;
	s5 =	simm.s32 @!p2 $0x0  }
0x1d: {  	s5 =	simm.s32 @p1 $0x1;
	p0 =	seq.s32 s7, s2  }
0x1e: {  	s7 =	smul.u32 @!p0 $0xF7A, s2;
	p2 =	seq.s32 @!p0 s5, $0x0  }
0x1f: {  	s9 =	smul.u32 $0xF7A, s1;
	s8 =	simm.s32 @!p0 $0x1BF5;
	p2 =	por !p2, p0  }
0x20: {  	[sflag:s8] =	ssyncset.s32 @!p0 $0xFFFFF086;
	s6 =	sadd.s32 @!p0 s3, s7;
	s7 =	simm.s32 @!p0 $0x108  }
0x21: {  	s3 =	sadd.s32 s3, s9;
	s6 =	sadd.s32 @!p0 $0x88, s6;
	s7 =	simm.s32 @p2 $0x1082  }
0x22: {  	[simem:s7], [sflag:s8] =	dma.local @!p0 [hbm:s6], $0xF7A  }
0x23: {  	s9 =	sor.u32 $0xD0000000, s2;
	s6 =	simm.s32 $0x108;
	_ =	swait.ge @!p0 [sflag:s8], $0x0  }
0x24: {  	s3 =	sadd.s32 $0x88, s3;
	s6 =	simm.s32 @!p1 $0x1082;
	[sflag:s4] =	ssyncset.s32 $0xFFFFF086  }
0x25: {  	[simem:s6], [sflag:s4] =	dma.local [hbm:s3], $0xF7A  }
0x26: {  	[smem:$0x3F98] =	sst s1;
	(tag) =	ssettag s2;
	_ =	strace s9  }
0x27: {  	s1 =	sld [smem:$0x3FA8]  }
0x28: {  	s2 =	sld [smem:$0x3FA9]  }
0x29: {  	s4 =	sld [smem:$0x3FAB]  }
0x2a: {  	p0 =	seq.s32 s5, $0x0;
	s5 =	sld [smem:$0x3FAC]  }
0x2b: {  	s6 =	sld [smem:$0x3FAD]  }
0x2c: {  	s7 =	sld [smem:$0x3FAE]  }
0x2d: {  	s3 =	simm.s32 $0x108;
	s8 =	sld [smem:$0x3FAF]  }
0x2e: {  	s3 =	simm.s32 @!p0 $0x1082;
	s9 =	sld [smem:$0x3FB0]  }
0x2f: {  	lr =	sadd.s32 s0, s3;
	s0 =	sld [smem:$0x3FA7]  }
0x30: {  	s3 =	sld [smem:$0x3FAA]  }
0x31: {  	[smem:$0x3FB3] =	sst s10  }
0x32: {  	s10 =	sld [smem:$0x3FB1];
	_ =	sdelay $0x3  }
0x33: {  	p0 =	seq.s32 s10, $0x1;
	s10 =	sld [smem:$0x3FB3];
	_ =	sdelay $0x3  }
0x34: {  	[smem:$0x3FB3] =	sst s10  }
0x35: {  	s10 =	sld [smem:$0x3FB2];
	_ =	sdelay $0x3  }
0x36: {  	p1 =	seq.s32 s10, $0x1;
	s10 =	sld [smem:$0x3FB3];
	_ =	sdelay $0x3  }
0x37: {  	[smem:$0x3FB3] =	sst s10  }
0x38: {  	s10 =	sld [smem:$0x3FB4]  }
0x39: {  	_ = 	snop;
	(pc) =	sbr.ind lr, $3  }
0x3a: {  	_ = 	snop  }
0x3b: {  	_ = 	snop  }
0x3c: {  	p2 =	seq.s32 s10, $0x1;
	s10 =	sld [smem:$0x3FB3]  }
0x3d: {  	_ =	shalt  }
0x3e: {  	_ =	shalt  }
0x3f: {  	_ =	shalt  }
0x40: {  	_ =	shalt  }
0x41: {  	_ =	shalt  }
0x42: {  	_ =	shalt  }
0x43: {  	_ =	shalt  }
0x44: {  	_ =	shalt  }
0x45: {  	_ =	shalt  }
0x46: {  	_ =	shalt  }
0x47: {  	_ =	shalt  }
0x48: {  	_ =	shalt  }
0x49: {  	_ =	shalt  }
0x4a: {  	_ =	shalt  }
0x4b: {  	_ =	shalt  }
0x4c: {  	_ =	shalt  }
0x4d: {  	_ =	shalt  }
0x4e: {  	_ =	shalt  }
0x4f: {  	_ =	shalt  }
0x50: {  	_ =	shalt  }
0x51: {  	_ =	shalt  }
0x52: {  	_ =	shalt  }
0x53: {  	_ =	shalt  }
0x54: {  	_ =	shalt  }
0x55: {  	_ =	shalt  }
0x56: {  	_ =	shalt  }
0x57: {  	_ =	shalt  }
0x58: {  	_ =	shalt  }
0x59: {  	_ =	shalt  }
0x5a: {  	_ =	shalt  }
0x5b: {  	_ =	shalt  }
0x5c: {  	_ =	shalt  }
0x5d: {  	_ =	shalt  }
0x5e: {  	_ =	shalt  }
0x5f: {  	_ =	shalt  }
0x60: {  	_ =	shalt  }
0x61: {  	_ =	shalt  }
0x62: {  	_ =	shalt  }
0x63: {  	_ =	shalt  }
0x64: {  	_ =	shalt  }
0x65: {  	_ =	shalt  }
0x66: {  	_ =	shalt  }
0x67: {  	_ =	shalt  }
0x68: {  	_ =	shalt  }
0x69: {  	_ =	shalt  }
0x6a: {  	_ =	shalt  }
0x6b: {  	_ =	shalt  }
0x6c: {  	_ =	shalt  }
0x6d: {  	_ =	shalt  }
0x6e: {  	_ =	shalt  }
0x6f: {  	_ =	shalt  }
0x70: {  	_ =	shalt  }
0x71: {  	_ =	shalt  }
0x72: {  	_ =	shalt  }
0x73: {  	_ =	shalt  }
0x74: {  	_ =	shalt  }
0x75: {  	_ =	shalt  }
0x76: {  	_ =	shalt  }
0x77: {  	_ =	shalt  }
0x78: {  	_ =	shalt  }
0x79: {  	_ =	shalt  }
0x7a: {  	_ =	shalt  }
0x7b: {  	_ =	shalt  }
0x7c: {  	_ =	shalt  }
0x7d: {  	_ =	shalt  }
0x7e: {  	_ =	shalt  }
0x7f: {  	_ =	shalt  }
0x80: {  	_ =	shalt  }
0x81: {  	_ =	shalt  }
0x82: {  	_ =	shalt  }
0x83: {  	_ =	shalt  }
0x84: {  	_ =	shalt  }
0x85: {  	_ =	shalt  }
0x86: {  	_ =	shalt  }
0x87: {  	_ =	shalt  }
.Lfunc_end0:
.L_simem_size_0:
called_computation_lowered:
.L_overlay_start_0:
0x88: {  	s2 =	sld [smem:$0x3FD9]  }
0x89: {  	s3 =	sld [smem:$0x3FFE];
	_ =	sdelay $0x1  }
0x8a: {  	s1 =	srdreg.scid  }
0x8b: {  	s0 =	sand.u32 $0x1, s1  }
0x8c: {  	s16 =	sshll.u32 s0, $0xA;
	s2 =	sadd.s32 s3, s2  }
0x8d: {  	s2 =	sadd.s32 s2, s16  }
0x8e: {  	[smem:$0x3FBF] =	sst s2  }
0x8f: {  	_ = 	snop  }
0x90: {  	(tm) =	ssettm $0x1  }
0x91: {  	s17 =	sld [smem:$0x3FFB];
	_ =	sdelay $0x3  }
0x92: {  	_ =	strace s17  }
0x93: {  	s2 =	sld [smem:$0x3FFC];
	_ =	sdelay $0x3  }
0x94: {  	_ =	strace s2  }
0x95: {  	s2 =	sld [smem:$0x3FFD];
	_ =	sdelay $0x3  }
0x96: {  	_ =	strace s2  }
0x97: {  	_ =	strace $0x8FFFFFFF  }
0x98: {  	s18 =	sld [smem:$0x3FDB];
	_ =	sdelay $0x1  }
0x99: {  	s19 =	simm.s32 $_scs_section_size  }
0x9a: {  	s4 =	simm.s32 $_size__tile_overlayer_lowered;
	s5 =	simm.s32 $_tile_overlayer_lowered  }
0x9b: {  	s22 =	simm.s32 $0x1BFF;
	s21 =	sshll.u32 s5, $0x1;
	s2 =	sadd.s32 s19, s18  }
0x9c: {  	s6 =	simm.s32 $0x0;
	s20 =	sshll.u32 s4, $0x1;
	s4 =	sadd.s32 s21, s2  }
0x9d: {  	[timem:s6], [sflag:s22] =	dma.local [hbm:s4], s20  }
0x9e: {  	_ =	swait.ge [sflag:s22], s20  }
0x9f: {  	s3 =	ssub.s32 $0x0, s20;
	[sflag:s22] =	ssyncset.done $0x0  }
0xa0: {  	[sflag:s22] =	ssyncadd.s32 s3;
	_ =	sdelay $0x1  }
0xa1: {  	s23 =	simm.s32 $0x1B8B  }
0xa2: {  	_ =	swait.ge [sflag:s23], $0x1  }
0xa3: {  	[sflag:s23] =	ssyncset.done $0x0  }
0xa4: {  	s25 =	simm.s32 $0x1B8E;
	s24 =	sld [smem:$0x3FFE];
	[sflag:s23] =	ssyncadd.s32 $0xFFFFFFFF  }
0xa5: {  	s26 =	simm.s32 $execute0_lowered;
	[smem:$0x3FD2] =	sst s25  }
0xa6: {  	s4 =	sshll.u32 s26, $0x1;
	_ =	strace $0x80000046;
	[dreg:$0x1] =	wrdreg $0xFFFFFFFF  }
0xa7: {  	s28 =	simm.s32 $_size_execute0_lowered;
	s2 =	sadd.s32 s2, s4;
	[dreg:$0x0] =	wrdreg $0x0  }
0xa8: {  	s4 =	sshll.u32 s28, $0x1;
	[dreg:$0x2] =	wrdreg s2  }
0xa9: {  	[dreg:$0x3] =	wrdreg s4  }
0xaa: {  	[dreg:$0x4] =	wrdreg $0xC0  }
0xab: {  	_ =	task [dreg:s6], $0x5FFFF  }
0xac: {  	[dreg:$0x1] =	wrdreg $0xFFFFFFFF  }
0xad: {  	[dreg:$0x0] =	wrdreg $0x60  }
0xae: {  	[dreg:$0x2] =	wrdreg s24  }
0xaf: {  	[dreg:$0x3] =	wrdreg $0x90000  }
0xb0: {  	[dreg:$0x4] =	wrdreg $0x9  }
0xb1: {  	_ =	task.clear_ibuf [dreg:s6], $0x5FFFF;
	_ =	strace $0x90000046  }
0xb2: {  	s29 =	simm.s32 $0x9;
	_ =	strace $0x80000048  }
0xb3: {  	_ =	swait.ge [sflag:s29], $0x1  }
0xb4: {  	[sflag:s29] =	ssyncadd.s32 $0xFFFFFFFF  }
0xb5: {  	_ =	strace $0x90000048  }
0xb6: {  	_ =	sfence  }
0xb7: {  	s30 =	sld [smem:$0x0];
	_ =	sdelay $0x2  }
0xb8: {  	s31 =	sshll.u32 s1, $0xD;
	s1 =	sshrl.u32 s1, $0x2  }
0xb9: {  	s3 =	sand.u32 $0x4000, s31;
	s1 =	sadd.s32 s1, s30  }
0xba: {  	s0 =	sor.u32 s3, s0;
	s1 =	sshll.u32 s1, $0x11  }
0xbb: {  	s0 =	sor.u32 s1, s0  }
0xbc: {  	s0 =	sadd.s32 $0x8F2B, s0  }
0xbd: {  	[sflag:s0] =	ssyncadd.remote.s32 $0x1  }
0xbe: {  	_ =	sfence.sel $0xFFFF  }
0xbf: {  	[dreg:$0x0] =	wrdreg $0xFFFFFFFF;
	(pc) =	sbr.abs _section_cstart, $3  }
0xc0: {  	[dreg:$0x1] =	wrdreg $0xFFFFFFFF  }
0xc1: {  	_ =	task.clear_ibuf [dreg:s6], $0x2FFFF;
	_ =	strace $0x9FFFFFFF  }
0xc2: {  	(tm) =	ssettm $0x7FFFFFFF  }
0xc3: {  	_ =	shalt  }
tec
execute0_lowered:
.L_overlay_start_1:
0x0: {  	(tag) =	ssettag $0x1  }
0x1: {  	s6 =	rddreg [dreg:$0x0]  }
0x2: {  	s1 =	rddreg [dreg:$0x1];
	s2 =	srdreg.scid  }
0x3: {  	s0 =	rddreg [dreg:$0x2];
	s3 =	simm.s32 $0x0;
	s16 =	simm.s32 $0x1  }
0x4: {  	s17 =	simm.s32 $0x50;
	s18 =	simm.s32 $0x4000;
	s19 =	simm.s32 $0x80  }
0x5: {  	s20 =	simm.s32 $0x6800;
	s21 =	simm.s32 $0x2;
	s22 =	simm.s32 $0x3  }
0x6: {  	s23 =	simm.s32 $0x4;
	s28 =	simm.s32 $0x0;
	s7 =	sand.u32 $0x1, s2  }
0x7: {  	s2 =	stileid.u32;
	[smem:$0x7FF] =	sst s3;
	s4 =	sadd.s32 $0x21400, s6  }
0x8: {  	s9 =	sadd.s32 $0x11400, s6;
	s10 =	sadd.s32 $0x1400, s6;
	s5 =	smul.u32 $0x140000, s7  }
0x9: {  	s8 =	smul.u32 $0x14000, s2;
	_ =	strace $0x80000047;
	s11 =	ssub.s32 $0x2, s7  }
0xa: {  	s25 =	smul.u32 $0x50000, s2;
	s26 =	sshll.u32 s7, $0xF;
	s29 =	sshll.u32 s2, $0xB  }
0xb: {  	s30 =	sshll.u32 s2, $0x6;
	s24 =	sshrl.u32 s11, $0x1;
	s14 =	sor.u32 s29, s26  }
0xc: {  	s26 =	simm.s32 $0x3F80;
	s8 =	sadd.s32 s8, s5;
	s5 =	sadd.s32 $0x48600, s6  }
0xd: {  	s13 =	ssub.s32 s11, s24;
	s31 =	sor.u32 $0x400, s14;
	s7 =	sadd.s32 s9, s14  }
0xe: {  	s24 =	simm.s32 $0x5;
	s8 =	sshrl.u32 s8, $0x3;
	s9 =	sadd.s32 s9, s31  }
0xf: {  	s12 =	sadd.s32 s8, s6;
	s8 =	sshrl.u32 s25, $0x2;
	s6 =	sor.u32 $0x1C06, s30  }
0x10: {  	s25 =	simm.s32 $0x3F00;
	s15 =	sadd.s32 s8, s1;
	s8 =	sadd.s32 s10, s14  }
0x11: {  	s10 =	sadd.s32 s10, s31;
	s11 =	sadd.s32 $0x4AE00, s12;
	s12 =	smax.u32 s13, $0x1  }
0x12: {  	s14 =	simm.s32 $0x6;
	s13 =	sshrl.u32 s15, $0x3;
	s15 =	simm.s32 $0x2000  }
.LBB2_1:
0x13: {  	[spmem:s13], [sflag:s6] =	dma.local [hbm:s5], $0x2800  }
0x14: {  	_ =	swait.ge [sflag:s14], $0x2800  }
0x15: {  	[sflag:s14] =	ssyncset.done $0x0  }
0x16: {  	[sflag:s14] =	ssyncadd.s32 $0xFFFFD800  }
0x17: {  	[bflag:$0x0] =	sbarrier.arrive $0xFFFF  }
0x18: {  	[tilespmem:s3], [sflag:$0x1] =	stream.linear.gather [hbm4b:s7+s3], $0x2000, $0x38;
	[tilespmem:$0x1D000] =	vst v63  }
0x19: {  	_ = 	snop  }
0x1a: {  	[tilespmem:s15], [sflag:$0x1] =	stream.linear.gather [hbm4b:s8+s3], $0x2000, $0x38;
	[tilespmem:$0x1D000] =	vst v63  }
0x1b: {  	_ =	swait.ge [sflag:s16], $0x2000  }
0x1c: {  	[sflag:s16] =	ssyncset.done $0x0  }
0x1d: {  	[sflag:s16] =	ssyncadd.s32 $0xFFFFE000  }
0x1e: {  	_ =	swait.ge [sflag:s16], $0x2000  }
0x1f: {  	[sflag:s16] =	ssyncset.done $0x0  }
0x20: {  	[sflag:s16] =	ssyncadd.s32 $0xFFFFE000  }
0x21: {  	[tilespmem:s18], [sflag:$0x2] =	stream.indirect.gather [hbm4b:s4+s17], $0x80, s3, s17, $0xb8;
	[tilespmem:$0x1D000] =	vst v63  }
0x22: {  	_ = 	snop  }
0x23: {  	[tilespmem:s20], [sflag:$0x3] =	stream.indirect.gather [hbm4b:s4+s17], $0x80, s19, s17, $0xb8;
	[tilespmem:$0x1D000] =	vst v63  }
0x24: {  	_ =	swait.ge [sflag:s21], $0x2800  }
0x25: {  	[sflag:s21] =	ssyncset.done $0x0  }
0x26: {  	s29 =	simm.s32 $0x2000;
	[sflag:s21] =	ssyncadd.s32 $0xFFFFD800  }
0x27: {  	[spmem:s1] =	stream.indirect.scatter.add.f32 [tilespmem:s18], [sflag:$0x4], $0x80, s29, s17, $0xb8;
	[tilespmem:$0x1D000] =	vst v63  }
0x28: {  	_ =	swait.ge [sflag:s22], $0x2800  }
0x29: {  	[sflag:s22] =	ssyncset.done $0x0  }
0x2a: {  	s29 =	simm.s32 $0x2080;
	[sflag:s22] =	ssyncadd.s32 $0xFFFFD800  }
0x2b: {  	[spmem:s1] =	stream.indirect.scatter.add.f32 [tilespmem:s20], [sflag:$0x5], $0x80, s29, s17, $0xb8;
	[tilespmem:$0x1D000] =	vst v63  }
0x2c: {  	_ =	swait.ge [sflag:s23], $0x2800  }
0x2d: {  	[sflag:s23] =	ssyncset.done $0x0  }
0x2e: {  	s29 =	simm.s32 $0x100;
	[sflag:s23] =	ssyncadd.s32 $0xFFFFD800  }
0x2f: {  	[tilespmem:s18], [sflag:$0x2] =	stream.indirect.gather [hbm4b:s4+s17], $0x80, s29, s17, $0xb8;
	[tilespmem:$0x1D000] =	vst v63  }
0x30: {  	_ =	swait.ge [sflag:s24], $0x2800  }
0x31: {  	[sflag:s24] =	ssyncset.done $0x0  }
0x32: {  	s30 =	simm.s32 $0x180;
	s29 =	simm.s32 $0x400;
	[sflag:s24] =	ssyncadd.s32 $0xFFFFD800  }
.LBB2_2:
0x33: {  	[tilespmem:s20], [sflag:$0x3] =	stream.indirect.gather [hbm4b:s4+s17], $0x80, s30, s17, $0xb8;
	[tilespmem:$0x1D000] =	vst v63  }
0x34: {  	s30 =	smov.u32 s29  }
0x35: {  	p0 =	sne.s32 s29, $0x7800;
	s29 =	sadd.s32 $0x400, s29;
	_ =	swait.ge [sflag:s21], $0x2800  }
0x36: {  	s30 =	sshra.s32 s30, $0x2;
	[sflag:s21] =	ssyncset.done $0x0  }
0x37: {  	s31 =	sadd.s32 $0x2000, s30;
	[sflag:s21] =	ssyncadd.s32 $0xFFFFD800  }
0x38: {  	[spmem:s1] =	stream.indirect.scatter.add.f32 [tilespmem:s18], [sflag:$0x4], $0x80, s31, s17, $0xb8;
	[tilespmem:$0x1D000] =	vst v63  }
0x39: {  	_ =	swait.ge [sflag:s22], $0x2800  }
0x3a: {  	[sflag:s22] =	ssyncset.done $0x0  }
0x3b: {  	s31 =	sadd.s32 $0x2080, s30;
	[sflag:s22] =	ssyncadd.s32 $0xFFFFD800  }
0x3c: {  	[spmem:s1] =	stream.indirect.scatter.add.f32 [tilespmem:s20], [sflag:$0x5], $0x80, s31, s17, $0xb8;
	[tilespmem:$0x1D000] =	vst v63  }
0x3d: {  	_ =	swait.ge [sflag:s23], $0x2800  }
0x3e: {  	[sflag:s23] =	ssyncset.done $0x0  }
.Ltmp0:
0x3f: {  	s31 =	sadd.s32 $0x100, s30;
	[sflag:s23] =	ssyncadd.s32 $0xFFFFD800;
	(pc) =	sbr.rel @p0 .LBB2_2-.Ltmp0, $4  }
0x40: {  	[tilespmem:s18], [sflag:$0x2] =	stream.indirect.gather [hbm4b:s4+s17], $0x80, s31, s17, $0xb8;
	[tilespmem:$0x1D000] =	vst v63  }
0x41: {  	_ =	swait.ge [sflag:s24], $0x2800  }
0x42: {  	[sflag:s24] =	ssyncset.done $0x0  }
0x43: {  	s30 =	sadd.s32 $0x180, s30;
	[sflag:s24] =	ssyncadd.s32 $0xFFFFD800  }
0x44: {  	[tilespmem:s20], [sflag:$0x3] =	stream.indirect.gather [hbm4b:s4+s17], $0x80, s30, s17, $0xb8;
	[tilespmem:$0x1D000] =	vst v63  }
0x45: {  	_ =	swait.ge [sflag:s21], $0x2800  }
0x46: {  	[sflag:s21] =	ssyncset.done $0x0  }
0x47: {  	[sflag:s21] =	ssyncadd.s32 $0xFFFFD800  }
0x48: {  	[spmem:s1] =	stream.indirect.scatter.add.f32 [tilespmem:s18], [sflag:$0x4], $0x80, s25, s17, $0xb8;
	[tilespmem:$0x1D000] =	vst v63  }
0x49: {  	_ =	swait.ge [sflag:s22], $0x2800  }
0x4a: {  	[sflag:s22] =	ssyncset.done $0x0  }
0x4b: {  	[sflag:s22] =	ssyncadd.s32 $0xFFFFD800  }
0x4c: {  	[spmem:s1] =	stream.indirect.scatter.add.f32 [tilespmem:s20], [sflag:$0x5], $0x80, s26, s17, $0xb8;
	[tilespmem:$0x1D000] =	vst v63  }
0x4d: {  	_ =	swait.ge [sflag:s23], $0x2800  }
0x4e: {  	[sflag:s23] =	ssyncset.done $0x0  }
0x4f: {  	[sflag:s23] =	ssyncadd.s32 $0xFFFFD800  }
0x50: {  	_ =	swait.ge [sflag:s24], $0x2800  }
0x51: {  	[sflag:s24] =	ssyncset.done $0x0  }
0x52: {  	s29 =	simm.s32 $0x0;
	[sflag:s24] =	ssyncadd.s32 $0xFFFFD800  }
0x53: {  	[tilespmem:s29], [sflag:$0x1] =	stream.linear.gather [hbm4b:s9+s29], $0x2000, $0x38;
	[tilespmem:$0x1D000] =	vst v63  }
0x54: {  	_ = 	snop  }
0x55: {  	[tilespmem:s15], [sflag:$0x1] =	stream.linear.gather [hbm4b:s10+s29], $0x2000, $0x38;
	[tilespmem:$0x1D000] =	vst v63  }
0x56: {  	_ =	swait.ge [sflag:s16], $0x2000  }
0x57: {  	[sflag:s16] =	ssyncset.done $0x0  }
0x58: {  	[sflag:s16] =	ssyncadd.s32 $0xFFFFE000  }
0x59: {  	_ =	swait.ge [sflag:s16], $0x2000  }
0x5a: {  	[sflag:s16] =	ssyncset.done $0x0  }
0x5b: {  	[sflag:s16] =	ssyncadd.s32 $0xFFFFE000  }
0x5c: {  	[tilespmem:s18], [sflag:$0x2] =	stream.indirect.gather [hbm4b:s4+s17], $0x80, s29, s17, $0xb8;
	[tilespmem:$0x1D000] =	vst v63  }
0x5d: {  	_ = 	snop  }
0x5e: {  	[tilespmem:s20], [sflag:$0x3] =	stream.indirect.gather [hbm4b:s4+s17], $0x80, s19, s17, $0xb8;
	[tilespmem:$0x1D000] =	vst v63  }
0x5f: {  	_ =	swait.ge [sflag:s21], $0x2800  }
0x60: {  	[sflag:s21] =	ssyncset.done $0x0  }
0x61: {  	s29 =	simm.s32 $0x2000;
	[sflag:s21] =	ssyncadd.s32 $0xFFFFD800  }
0x62: {  	[spmem:s1] =	stream.indirect.scatter.add.f32 [tilespmem:s18], [sflag:$0x4], $0x80, s29, s17, $0xb8;
	[tilespmem:$0x1D000] =	vst v63  }
0x63: {  	_ =	swait.ge [sflag:s22], $0x2800  }
0x64: {  	[sflag:s22] =	ssyncset.done $0x0  }
0x65: {  	s29 =	simm.s32 $0x2080;
	[sflag:s22] =	ssyncadd.s32 $0xFFFFD800  }
0x66: {  	[spmem:s1] =	stream.indirect.scatter.add.f32 [tilespmem:s20], [sflag:$0x5], $0x80, s29, s17, $0xb8;
	[tilespmem:$0x1D000] =	vst v63  }
0x67: {  	_ =	swait.ge [sflag:s23], $0x2800  }
0x68: {  	[sflag:s23] =	ssyncset.done $0x0  }
0x69: {  	s29 =	simm.s32 $0x100;
	[sflag:s23] =	ssyncadd.s32 $0xFFFFD800  }
0x6a: {  	[tilespmem:s18], [sflag:$0x2] =	stream.indirect.gather [hbm4b:s4+s17], $0x80, s29, s17, $0xb8;
	[tilespmem:$0x1D000] =	vst v63  }
0x6b: {  	_ =	swait.ge [sflag:s24], $0x2800  }
0x6c: {  	[sflag:s24] =	ssyncset.done $0x0  }
0x6d: {  	s30 =	simm.s32 $0x180;
	s29 =	simm.s32 $0x400;
	[sflag:s24] =	ssyncadd.s32 $0xFFFFD800  }
.LBB2_4:
0x6e: {  	[tilespmem:s20], [sflag:$0x3] =	stream.indirect.gather [hbm4b:s4+s17], $0x80, s30, s17, $0xb8;
	[tilespmem:$0x1D000] =	vst v63  }
0x6f: {  	s30 =	smov.u32 s29  }
0x70: {  	p0 =	sne.s32 s29, $0x7800;
	s29 =	sadd.s32 $0x400, s29;
	_ =	swait.ge [sflag:s21], $0x2800  }
0x71: {  	s30 =	sshra.s32 s30, $0x2;
	[sflag:s21] =	ssyncset.done $0x0  }
0x72: {  	s31 =	sadd.s32 $0x2000, s30;
	[sflag:s21] =	ssyncadd.s32 $0xFFFFD800  }
0x73: {  	[spmem:s1] =	stream.indirect.scatter.add.f32 [tilespmem:s18], [sflag:$0x4], $0x80, s31, s17, $0xb8;
	[tilespmem:$0x1D000] =	vst v63  }
0x74: {  	_ =	swait.ge [sflag:s22], $0x2800  }
0x75: {  	[sflag:s22] =	ssyncset.done $0x0  }
0x76: {  	s31 =	sadd.s32 $0x2080, s30;
	[sflag:s22] =	ssyncadd.s32 $0xFFFFD800  }
0x77: {  	[spmem:s1] =	stream.indirect.scatter.add.f32 [tilespmem:s20], [sflag:$0x5], $0x80, s31, s17, $0xb8;
	[tilespmem:$0x1D000] =	vst v63  }
0x78: {  	_ =	swait.ge [sflag:s23], $0x2800  }
0x79: {  	[sflag:s23] =	ssyncset.done $0x0  }
.Ltmp1:
0x7a: {  	s31 =	sadd.s32 $0x100, s30;
	[sflag:s23] =	ssyncadd.s32 $0xFFFFD800;
	(pc) =	sbr.rel @p0 .LBB2_4-.Ltmp1, $4  }
0x7b: {  	[tilespmem:s18], [sflag:$0x2] =	stream.indirect.gather [hbm4b:s4+s17], $0x80, s31, s17, $0xb8;
	[tilespmem:$0x1D000] =	vst v63  }
0x7c: {  	_ =	swait.ge [sflag:s24], $0x2800  }
0x7d: {  	[sflag:s24] =	ssyncset.done $0x0  }
0x7e: {  	s30 =	sadd.s32 $0x180, s30;
	[sflag:s24] =	ssyncadd.s32 $0xFFFFD800  }
0x7f: {  	[tilespmem:s20], [sflag:$0x3] =	stream.indirect.gather [hbm4b:s4+s17], $0x80, s30, s17, $0xb8;
	[tilespmem:$0x1D000] =	vst v63  }
0x80: {  	_ =	swait.ge [sflag:s21], $0x2800  }
0x81: {  	[sflag:s21] =	ssyncset.done $0x0  }
0x82: {  	[sflag:s21] =	ssyncadd.s32 $0xFFFFD800  }
0x83: {  	[spmem:s1] =	stream.indirect.scatter.add.f32 [tilespmem:s18], [sflag:$0x4], $0x80, s25, s17, $0xb8;
	[tilespmem:$0x1D000] =	vst v63  }
0x84: {  	_ =	swait.ge [sflag:s22], $0x2800  }
0x85: {  	[sflag:s22] =	ssyncset.done $0x0  }
0x86: {  	[sflag:s22] =	ssyncadd.s32 $0xFFFFD800  }
0x87: {  	[spmem:s1] =	stream.indirect.scatter.add.f32 [tilespmem:s20], [sflag:$0x5], $0x80, s26, s17, $0xb8;
	[tilespmem:$0x1D000] =	vst v63  }
0x88: {  	_ =	swait.ge [sflag:s23], $0x2800  }
0x89: {  	[sflag:s23] =	ssyncset.done $0x0  }
0x8a: {  	[sflag:s23] =	ssyncadd.s32 $0xFFFFD800  }
0x8b: {  	_ =	swait.ge [sflag:s24], $0x2800  }
0x8c: {  	s28 =	sadd.s32 $0x1, s28;
	[sflag:s24] =	ssyncset.done $0x0  }
0x8d: {  	p0 =	sne.s32 s28, s12;
	[sflag:s24] =	ssyncadd.s32 $0xFFFFD800  }
.Ltmp2:
0x8e: {  	[bflag:$0x0] =	sbarrier.arrive $0xFFFF;
	(pc) =	sbr.rel @p0 .LBB2_1-.Ltmp2, $4  }
0x8f: {  	[hbm:s11], [sflag:s6] =	dma.local [spmem:s13], $0x2800  }
0x90: {  	_ =	swait.ge [sflag:s14], $0x2800  }
0x91: {  	[sflag:s14] =	ssyncset.done $0x0  }
0x92: {  	[sflag:s14] =	ssyncadd.s32 $0xFFFFD800  }
0x93: {  	_ =	sfence.sel $0x180000  }
0x94: {  	[bflag:$0x0] =	sbarrier.arrive $0xFFFF  }
0x95: {  	p0 =	sne.s32 s2, $0x0;
	_ =	strace $0x90000047  }
0x96: {  	s0 =	sadd.s32 @!p0 $0x100000, s0;
	[bflag:$0x2] =	sbarrier.arrive $0xFFFF  }
0x97: {  	[sflag:s0] =	ssyncadd.tile.s32 @!p0 $0x1;
	_ =	shalt  }
.Lfunc_end2:
_tile_overlayer_lowered:
.L_overlay_start_2:
0x98: {  	(tag) =	ssettag $0x2  }
0x99: {  	s0 =	rddreg [dreg:$0x0];
	s2 =	stileid.u32  }
0x9a: {  	s1 =	rddreg [dreg:$0x1];
	p0 =	sne.s32 s2, $0x0  }
0x9b: {  	s3 =	rddreg [dreg:$0x2];
	[bflag:$0x3] =	sbarrier.arrive $0xFFFF;
	s2 =	simm.s32 @!p0 $0x1C06  }
0x9c: {  	[timem:s3], [sflag:s2] =	dma.local @!p0 [hbm:s0], s1  }
0x9d: {  	s0 =	simm.s32 @!p0 $0x6  }
0x9e: {  	_ =	swait.ge @!p0 [sflag:s0], s1  }
0x9f: {  	s1 =	ssub.s32 @!p0 $0x0, s1;
	[sflag:s0] =	ssyncset.done @!p0 $0x0  }
0xa0: {  	[sflag:s0] =	ssyncadd.s32 @!p0 s1  }
0xa1: {  	[bflag:$0x3] =	sbarrier.arrive $0xFFFF  }
0xa2: {  	_ =	shalt  }

</sc_bundles>
